<compile_context>
chip_gen: v7x
topology: tpu7x:2x2x1
jax: 0.10.2.dev20260603
libtpu: 0.0.44.dev20260713+nightly
codegen_flags: <defaults>
</compile_context>

<pallas_src>
import jax
import jax.numpy as jnp
from jax import lax
from jax.experimental import pallas as pl
from jax.experimental.pallas import tpu as pltpu
from jax.experimental.pallas import tpu_sc as plsc

N = 10000
E = 320000
D = 128
G = 64

NC = 2
NS = 16
CHUNK = 128
N_CHUNKS = 2560
E_PAD = N_CHUNKS * CHUNK
N_PAD = 10240
BR = 256
EFW = 24
HW = D // 2
NBUF = 6

_SC_PARAMS = pltpu.CompilerParams(use_tc_tiling_on_sc=False)

_sc_mesh = plsc.VectorSubcoreMesh(
    core_axis_name="c", subcore_axis_name="s", num_cores=NC, num_subcores=NS)


def _zero_buf(buf_ref, width):
  z = jnp.zeros((16,), jnp.float32)

  @pl.loop(0, CHUNK)
  def _(r):
    for i in range(width // 16):
      buf_ref[r, pl.ds(i * 16, 16)] = z


def _run_ring(cps, start, wait_gather, rows, acc, dstv, ssem):
  for b in range(4):
    start(b, b)

  def wait_one_scatter():
    pltpu.make_async_copy(rows.at[0], acc.at[dstv.at[0]], ssem).wait()

  @pl.loop(0, cps)
  def _(c):
    buf = lax.rem(c, NBUF)
    wait_gather(buf)
    pltpu.async_copy(rows.at[buf], acc.at[dstv.at[c]], ssem, add=True)

    @pl.when(jnp.logical_and(c >= 2, c + 4 < cps))
    def _():
      wait_one_scatter()

    @pl.when(c + 4 < cps)
    def _():
      start(c + 4, lax.rem(c + 4, NBUF))

  for _ in range(NBUF):
    wait_one_scatter()


def _node_pool_body(cur2, src_hbm, dst_hbm, out_hbm, srcv, dstv, rows, acc,
                    gsem, ssem):
  cid = lax.axis_index("c")
  sid = lax.axis_index("s")
  rows_per_tile = N_PAD // NS
  data = cur2.at[cid]

  _zero_buf(rows.at[0], HW)
  for j in range(rows_per_tile // CHUNK):
    pltpu.sync_copy(rows.at[0],
                    acc.at[pl.ds(sid * rows_per_tile + j * CHUNK, CHUNK)])
  plsc.subcore_barrier()

  cps = N_CHUNKS // NS
  base = sid * cps
  pltpu.sync_copy(src_hbm.at[pl.ds(base, cps)], srcv)
  pltpu.sync_copy(dst_hbm.at[pl.ds(base, cps)], dstv)

  def start(c, buf):
    pltpu.async_copy(data.at[srcv.at[c]], rows.at[buf], gsem)

  def wait_gather(buf):
    pltpu.make_async_copy(data.at[pl.ds(0, CHUNK)], rows.at[buf], gsem).wait()

  _run_ring(cps, start, wait_gather, rows, acc, dstv, ssem)

  plsc.subcore_barrier()
  pltpu.sync_copy(acc.at[pl.ds(sid * rows_per_tile, rows_per_tile)],
                  out_hbm.at[cid].at[pl.ds(sid * rows_per_tile,
                                           rows_per_tile)])


_sc_node_pool = pl.kernel(
    _node_pool_body,
    out_type=jax.ShapeDtypeStruct((NC, N_PAD, HW), jnp.float32),
    mesh=_sc_mesh,
    scratch_types=[
        pltpu.VMEM((N_CHUNKS // NS, CHUNK), jnp.int32),
        pltpu.VMEM((N_CHUNKS // NS, CHUNK), jnp.int32),
        pltpu.VMEM((NBUF, CHUNK, HW), jnp.float32),
        pltpu.VMEM_SHARED((N_PAD, HW), jnp.float32),
        pltpu.SemaphoreType.DMA,
        pltpu.SemaphoreType.DMA,
    ],
    compiler_params=_SC_PARAMS,
    name="sc_node_pool",
)


def _edge_pool_body(ef_hbm, dst_hbm, out_hbm, dstv, rows, acc, gsem, ssem):
  cid = lax.axis_index("c")
  sid = lax.axis_index("s")
  wid = cid * NS + sid
  rows_per_tile = N_PAD // NS
  cpw = N_CHUNKS // (NC * NS)

  _zero_buf(rows.at[0], EFW)
  for j in range(rows_per_tile // CHUNK):
    pltpu.sync_copy(rows.at[0],
                    acc.at[pl.ds(sid * rows_per_tile + j * CHUNK, CHUNK)])
  plsc.subcore_barrier()

  base = wid * cpw
  pltpu.sync_copy(dst_hbm.at[pl.ds(base, cpw)], dstv)

  def start(c, buf):
    pltpu.async_copy(ef_hbm.at[pl.ds((base + c) * CHUNK, CHUNK)],
                     rows.at[buf], gsem)

  def wait_gather(buf):
    pltpu.make_async_copy(ef_hbm.at[pl.ds(0, CHUNK)], rows.at[buf],
                          gsem).wait()

  _run_ring(cpw, start, wait_gather, rows, acc, dstv, ssem)

  plsc.subcore_barrier()
  pltpu.sync_copy(acc.at[pl.ds(sid * rows_per_tile, rows_per_tile)],
                  out_hbm.at[cid].at[pl.ds(sid * rows_per_tile,
                                           rows_per_tile)])


_sc_edge_pool = pl.kernel(
    _edge_pool_body,
    out_type=jax.ShapeDtypeStruct((NC, N_PAD, EFW), jnp.float32),
    mesh=_sc_mesh,
    scratch_types=[
        pltpu.VMEM((N_CHUNKS // (NC * NS), CHUNK), jnp.int32),
        pltpu.VMEM((NBUF, CHUNK, EFW), jnp.float32),
        pltpu.VMEM_SHARED((N_PAD, EFW), jnp.float32),
        pltpu.SemaphoreType.DMA,
        pltpu.SemaphoreType.DMA,
    ],
    compiler_params=_SC_PARAMS,
    name="sc_edge_pool",
)


def _tc_msg_body(nf, efp, Wn, We2, bn, msg_ref, cur_ref):
  m = jnp.dot(nf[...], Wn[...], preferred_element_type=jnp.float32)
  m += jnp.dot(efp[0] + efp[1], We2[...], preferred_element_type=jnp.float32)
  m += bn[...]
  msg_ref[...] = m
  r = jnp.maximum(m, 0.0)
  cur_ref[0] = r[:, :HW]
  cur_ref[1] = r[:, HW:]


def _tc_msg(nf, efp, Wn, We2, bn):
  return pl.pallas_call(
      _tc_msg_body,
      grid=(N_PAD // BR,),
      in_specs=[
          pl.BlockSpec((BR, D), lambda i: (i, 0)),
          pl.BlockSpec((NC, BR, EFW), lambda i: (0, i, 0)),
          pl.BlockSpec((D, D), lambda i: (0, 0)),
          pl.BlockSpec((EFW, D), lambda i: (0, 0)),
          pl.BlockSpec((1, D), lambda i: (0, 0)),
      ],
      out_specs=[pl.BlockSpec((BR, D), lambda i: (i, 0)),
                 pl.BlockSpec((NC, BR, HW), lambda i: (0, i, 0))],
      out_shape=[jax.ShapeDtypeStruct((N_PAD, D), jnp.float32),
                 jax.ShapeDtypeStruct((NC, N_PAD, HW), jnp.float32)],
  )(nf, efp, Wn, We2, bn)


def _tc_round_body(npool, msg, Wc, bc, cur_ref):
  s = jnp.concatenate([npool[0], npool[1]], axis=1)
  m = jnp.dot(s, Wc[...], preferred_element_type=jnp.float32)
  m += bc[...] + msg[...]
  r = jnp.maximum(m, 0.0)
  cur_ref[0] = r[:, :HW]
  cur_ref[1] = r[:, HW:]


def _tc_round(npool, msg, Wc, bc):
  return pl.pallas_call(
      _tc_round_body,
      grid=(N_PAD // BR,),
      in_specs=[
          pl.BlockSpec((NC, BR, HW), lambda i: (0, i, 0)),
          pl.BlockSpec((BR, D), lambda i: (i, 0)),
          pl.BlockSpec((D, D), lambda i: (0, 0)),
          pl.BlockSpec((1, D), lambda i: (0, 0)),
      ],
      out_specs=pl.BlockSpec((NC, BR, HW), lambda i: (0, i, 0)),
      out_shape=jax.ShapeDtypeStruct((NC, N_PAD, HW), jnp.float32),
  )(npool, msg, Wc, bc)


def _tc_pool_body(cur2, gid, Wfp, bfp, y_ref):
  i = pl.program_id(0)
  x = jnp.concatenate([cur2[0], cur2[1]], axis=1)
  x = jnp.dot(x, Wfp[...], preferred_element_type=jnp.float32)
  x = jnp.maximum(x + bfp[...], 0.0)
  ids = gid[0, 0, :]
  oh = (lax.broadcasted_iota(jnp.int32, (G, BR), 0) == ids[None, :])
  contrib = jnp.dot(oh.astype(jnp.float32), x,
                    preferred_element_type=jnp.float32)

  @pl.when(i == 0)
  def _():
    y_ref[...] = jnp.zeros_like(y_ref)

  y_ref[...] += contrib


def _tc_pool(cur2, gid3, Wfp, bfp):
  return pl.pallas_call(
      _tc_pool_body,
      grid=(N_PAD // BR,),
      in_specs=[
          pl.BlockSpec((NC, BR, HW), lambda i: (0, i, 0)),
          pl.BlockSpec((1, 1, BR), lambda i: (i, 0, 0)),
          pl.BlockSpec((D, D), lambda i: (0, 0)),
          pl.BlockSpec((1, D), lambda i: (0, 0)),
      ],
      out_specs=pl.BlockSpec((G, D), lambda i: (0, 0)),
      out_shape=jax.ShapeDtypeStruct((G, D), jnp.float32),
  )(cur2, gid3, Wfp, bfp)


def kernel(node_feat, edge_feat, edge_index, graph_ids, Wn, bn, We, be,
           Wc0, bc0, Wc1, bc1, Wc2, bc2, Wfp, bfp):
  src = edge_index[0]
  dst = edge_index[1]
  pad_e = E_PAD - E
  pad_n = N_PAD - N

  ef24 = jnp.concatenate(
      [edge_feat, jnp.ones((E, 1), jnp.float32),
       jnp.zeros((E, EFW - edge_feat.shape[1] - 1), jnp.float32)], axis=1)
  ef24 = jnp.concatenate([ef24, jnp.zeros((pad_e, EFW), jnp.float32)], axis=0)
  src_p = jnp.concatenate(
      [src, jnp.zeros((pad_e,), jnp.int32)]).reshape(N_CHUNKS, CHUNK)
  dst_p = jnp.concatenate(
      [dst, jnp.full((pad_e,), N_PAD - 1, jnp.int32)]).reshape(N_CHUNKS, CHUNK)
  nf_p = jnp.concatenate([node_feat, jnp.zeros((pad_n, D), jnp.float32)])
  gid3 = jnp.concatenate(
      [graph_ids, jnp.full((pad_n,), G, jnp.int32)]).reshape(N_PAD // BR, 1, BR)
  We2 = jnp.concatenate(
      [We, be[None, :], jnp.zeros((EFW - We.shape[0] - 1, D), jnp.float32)],
      axis=0)
  Wc_all = jnp.stack([Wc0, Wc1, Wc2])
  bc_all = jnp.stack([bc0, bc1, bc2]).reshape(3, 1, D)

  efpool = _sc_edge_pool(ef24, dst_p)
  msg, cur2 = _tc_msg(nf_p, efpool, Wn, We2, bn.reshape(1, D))

  def round_body(r, cur2):
    npool = _sc_node_pool(cur2, src_p, dst_p)
    return _tc_round(npool, msg, Wc_all[r], bc_all[r])

  cur2 = lax.fori_loop(0, 3, round_body, cur2)
  return _tc_pool(cur2, gid3, Wfp, bfp.reshape(1, D))

# --- scband reference (transcript-rebuilt; emitter-appended) ---
"""Pipeline reference for scband-embed-mean-field-6107443495393 (READ-ONLY COPY).

The authoritative reference and input builder live on the scoring server;
editing this copy changes nothing except your own understanding.
"""

import jax, jax.numpy as jnp
import numpy as np

N = 10000
E = 320000
D = 128
DE = 16
G = 64

def _glorot(k, fan_in, fan_out):
    lim = float(np.sqrt(6.0 / (fan_in + fan_out)))
    return jax.random.uniform(k, (fan_in, fan_out), minval=-lim, maxval=lim, dtype=jnp.float32)

def setup_inputs(seed: int = 0):
    key = jax.random.key(seed)
    ks = jax.random.split(key, 16)
    node_feat = jax.random.normal(ks[0], (N, D), dtype=jnp.float32)
    edge_feat = jax.random.normal(ks[1], (E, DE), dtype=jnp.float32)
    edge_index = jax.random.randint(ks[2], (2, E), 0, N, dtype=jnp.int32)
    graph_ids = jnp.sort(jax.random.randint(ks[3], (N,), 0, G, dtype=jnp.int32))
    inp = {
        'node_feat': node_feat,
        'edge_feat': edge_feat,
        'edge_index': edge_index,
        'graph_ids': graph_ids,
        'Wn': _glorot(ks[4], D, D), 'bn': jnp.zeros((D,), jnp.float32),
        'We': _glorot(ks[5], DE, D), 'be': jnp.zeros((D,), jnp.float32),
        'Wc0': _glorot(ks[6], D, D), 'bc0': jnp.zeros((D,), jnp.float32),
        'Wc1': _glorot(ks[7], D, D), 'bc1': jnp.zeros((D,), jnp.float32),
        'Wc2': _glorot(ks[8], D, D), 'bc2': jnp.zeros((D,), jnp.float32),
        'Wfp': _glorot(ks[9], D, D), 'bfp': jnp.zeros((D,), jnp.float32),
    }
    return inp

def reference(node_feat, edge_feat, edge_index, graph_ids, Wn, bn, We, be, Wc0, bc0, Wc1, bc1, Wc2, bc2, Wfp, bfp):
    src = edge_index[0]
    dst = edge_index[1]
    # w_n2l / w_e2l
    input_node_linear = node_feat @ Wn + bn
    input_edge_linear = edge_feat @ We + be
    # e2n_sp @ input_edge_linear : scatter-add edge embeddings to dst nodes
    e2npool_input = jax.ops.segment_sum(input_edge_linear, dst, num_segments=N)
    input_message = input_node_linear + e2npool_input
    cur_message_layer = jax.nn.relu(input_message)
    # max_lv rounds of mean-field message passing (n2n_sp @ cur = neighbor sum)
    for Wc, bc in ((Wc0, bc0), (Wc1, bc1), (Wc2, bc2)):
        n2npool = jax.ops.segment_sum(cur_message_layer[src], dst, num_segments=N)
        node_linear = n2npool @ Wc + bc
        merged_linear = node_linear + input_message
        cur_message_layer = jax.nn.relu(merged_linear)
    out_linear = cur_message_layer @ Wfp + bfp
    reluact_fp = jax.nn.relu(out_linear)
    # subg_sp @ reluact_fp : pool nodes into per-graph embeddings
    y_potential = jax.ops.segment_sum(reluact_fp, graph_ids, num_segments=G)
    return y_potential

if __name__ == "__main__":
    import jax
    _d = setup_inputs()
    print(jax.jit(kernel)(*tuple(_d.values())))

</pallas_src>

<mosaic_0001>
#map = affine_map<(d0, d1) -> (0, 0)>
#map1 = affine_map<(d0, d1) -> (0, 0, 0)>
module attributes {stable_mosaic.version = 14 : i64} {
  func.func @sc_edge_pool(%arg0: i32, %arg1: i32, %arg2: memref<327680x24xf32, #tpu.memory_space<hbm>>, %arg3: memref<2560x128xi32, #tpu.memory_space<hbm>>, %arg4: memref<2x10240x24xf32, #tpu.memory_space<hbm>>, %arg5: memref<80x128xi32, #tpu.memory_space<vmem>>, %arg6: memref<6x128x24xf32, #tpu.memory_space<vmem>>, %arg7: memref<10240x24xf32, #tpu.memory_space<vmem_shared>>, %arg8: memref<!tpu.dma_semaphore, #tpu.memory_space<semaphore_mem>>, %arg9: memref<!tpu.dma_semaphore, #tpu.memory_space<semaphore_mem>>) attributes {dimension_semantics = [#tpu.dimension_semantics<core_parallel>, #tpu.dimension_semantics<subcore_parallel>], iteration_bounds = array<i64: 2, 16>, scalar_prefetch = 0 : i64, scratch_operands = 5 : i64, tpu.core_type = #tpu.core_type<sc_vector_subcore>, window_params = [{transform_indices = #map}, {transform_indices = #map}, {transform_indices = #map1}]} {
    %mul3A = arith.constant 16 : i32
    %mul3A_0 = arith.muli %arg0, %mul3A : i32
    %add3A = arith.addi %mul3A_0, %arg1 : i32
    %broadcast_in_dim3A = arith.constant 0.000000e+00 : f32
    %broadcast_in_dim3A_1 = vector.broadcast %broadcast_in_dim3A : f32 to vector<16xf32>
    %scan3A = arith.constant 0 : i32
    %scan3A_2 = arith.constant 0 : i32
    %scan3A_3 = arith.constant 128 : i32
    %scan3A_4 = arith.addi %scan3A_2, %scan3A_3 : i32
    %scan3A_5 = arith.constant 1 : i32
    scf.for %scan3A_181 = %scan3A_2 to %scan3A_4 step %scan3A_5  : i32 {
      %mul3A_182 = arith.constant 1 : i32
      %mul3A_183 = arith.muli %scan3A_181, %mul3A_182 : i32
      %add3A_184 = arith.constant 0 : i32
      %add3A_185 = arith.addi %add3A_184, %mul3A_183 : i32
      %swap3A = arith.constant 0 : i32
      %swap3A_186 = arith.constant 0 : i32
      %swap3A_187 = tpu.memref_slice %arg6[%scan3A, %swap3A, %swap3A_186] : memref<6x128x24xf32, #tpu.memory_space<vmem>> -> memref<1x128x24xf32, #tpu.memory_space<vmem>>
      %swap3A_188 = tpu.memref_squeeze %swap3A_187 : memref<1x128x24xf32, #tpu.memory_space<vmem>> -> memref<128x24xf32, #tpu.memory_space<vmem>>
      %swap3A_189 = arith.index_cast %add3A_185 : i32 to index
      %swap3A_190 = arith.constant 0 : index
      %swap3A_191 = tpu.vector_load %swap3A_188[%swap3A_189, %swap3A_190] {strides = array<i32>} : memref<128x24xf32, #tpu.memory_space<vmem>>, vector<1x16xf32>,
      %swap3A_192 = vector.shape_cast %swap3A_191 : vector<1x16xf32> to vector<16xf32>
      %swap3A_193 = vector.shape_cast %broadcast_in_dim3A_1 : vector<16xf32> to vector<1x16xf32>
      tpu.vector_store %swap3A_188[%swap3A_189, %swap3A_190], %swap3A_193 {strides = array<i32>} : memref<128x24xf32, #tpu.memory_space<vmem>>, vector<1x16xf32>,
    }
    %scan3A_6 = arith.constant 128 : i32
    %mul3A_7 = arith.constant 640 : i32
    %mul3A_8 = arith.muli %arg1, %mul3A_7 : i32
    %add3A_9 = arith.constant 0 : i32
    %add3A_10 = arith.addi %mul3A_8, %add3A_9 : i32
    %run_scoped3A = arith.constant 0 : i32
    "tpu.region"() ({
      %run_scoped3A_181 = tpu.sem_alloc : memref<!tpu.dma_semaphore, #tpu.memory_space<semaphore_mem>>
      %dma_start3A_182 = arith.constant 0 : i32
      %dma_start3A_183 = arith.constant 0 : i32
      %dma_start3A_184 = tpu.memref_slice %arg6[%run_scoped3A, %dma_start3A_182, %dma_start3A_183] : memref<6x128x24xf32, #tpu.memory_space<vmem>> -> memref<1x128x24xf32, #tpu.memory_space<vmem>>
      %dma_start3A_185 = tpu.memref_squeeze %dma_start3A_184 : memref<1x128x24xf32, #tpu.memory_space<vmem>> -> memref<128x24xf32, #tpu.memory_space<vmem>>
      %dma_start3A_186 = arith.constant 0 : i32
      %dma_start3A_187 = tpu.memref_slice %arg7[%add3A_10, %dma_start3A_186] : memref<10240x24xf32, #tpu.memory_space<vmem_shared>> -> memref<128x24xf32, #tpu.memory_space<vmem_shared>>
      %dma_start3A_188 = arith.constant 0 : i32
      %dma_start3A_189 = tpu.memref_slice %arg7[%add3A_10, %dma_start3A_188] : memref<10240x24xf32, #tpu.memory_space<vmem_shared>> -> memref<128x24xf32, #tpu.memory_space<vmem_shared>>
      %dma_start3A_190 = arith.constant 0 : i32
      %dma_start3A_191 = arith.constant 0 : i32
      %dma_start3A_192 = tpu.memref_slice %arg6[%run_scoped3A, %dma_start3A_190, %dma_start3A_191] : memref<6x128x24xf32, #tpu.memory_space<vmem>> -> memref<1x128x24xf32, #tpu.memory_space<vmem>>
      %dma_start3A_193 = tpu.memref_squeeze %dma_start3A_192 : memref<1x128x24xf32, #tpu.memory_space<vmem>> -> memref<128x24xf32, #tpu.memory_space<vmem>>
      tpu.enqueue_dma source(%dma_start3A_193 : memref<128x24xf32, #tpu.memory_space<vmem>>) target(%dma_start3A_189 : memref<128x24xf32, #tpu.memory_space<vmem_shared>>) target_semaphore(%run_scoped3A_181 : memref<!tpu.dma_semaphore, #tpu.memory_space<semaphore_mem>>)
      %dma_wait3A_194 = arith.constant 0 : i32
      %dma_wait3A_195 = arith.constant 0 : i32
      %dma_wait3A_196 = tpu.memref_slice %arg6[%run_scoped3A, %dma_wait3A_194, %dma_wait3A_195] : memref<6x128x24xf32, #tpu.memory_space<vmem>> -> memref<1x128x24xf32, #tpu.memory_space<vmem>>
      %dma_wait3A_197 = tpu.memref_squeeze %dma_wait3A_196 : memref<1x128x24xf32, #tpu.memory_space<vmem>> -> memref<128x24xf32, #tpu.memory_space<vmem>>
      %dma_wait3A_198 = arith.constant 0 : i32
      %dma_wait3A_199 = tpu.memref_slice %arg7[%add3A_10, %dma_wait3A_198] : memref<10240x24xf32, #tpu.memory_space<vmem_shared>> -> memref<128x24xf32, #tpu.memory_space<vmem_shared>>
      %dma_wait3A_200 = arith.constant 0 : i32
      %dma_wait3A_201 = tpu.memref_slice %arg7[%add3A_10, %dma_wait3A_200] : memref<10240x24xf32, #tpu.memory_space<vmem_shared>> -> memref<128x24xf32, #tpu.memory_space<vmem_shared>>
      %dma_wait3A_202 = arith.constant 0 : i32
      %dma_wait3A_203 = arith.constant 0 : i32
      %dma_wait3A_204 = tpu.memref_slice %arg6[%run_scoped3A, %dma_wait3A_202, %dma_wait3A_203] : memref<6x128x24xf32, #tpu.memory_space<vmem>> -> memref<1x128x24xf32, #tpu.memory_space<vmem>>
      %dma_wait3A_205 = tpu.memref_squeeze %dma_wait3A_204 : memref<1x128x24xf32, #tpu.memory_space<vmem>> -> memref<128x24xf32, #tpu.memory_space<vmem>>
      tpu.wait_dma2 semaphore(%run_scoped3A_181 : memref<!tpu.dma_semaphore, #tpu.memory_space<semaphore_mem>>) src(%dma_wait3A_205 : memref<128x24xf32, #tpu.memory_space<vmem>>) dst(%dma_wait3A_201 : memref<128x24xf32, #tpu.memory_space<vmem_shared>>)
      tpu.yield
    }) : () -> ()
    %mul3A_11 = arith.constant 640 : i32
    %mul3A_12 = arith.muli %arg1, %mul3A_11 : i32
    %add3A_13 = arith.constant 128 : i32
    %add3A_14 = arith.addi %mul3A_12, %add3A_13 : i32
    %run_scoped3A_15 = arith.constant 0 : i32
    "tpu.region"() ({
      %run_scoped3A_181 = tpu.sem_alloc : memref<!tpu.dma_semaphore, #tpu.memory_space<semaphore_mem>>
      %dma_start3A_182 = arith.constant 0 : i32
      %dma_start3A_183 = arith.constant 0 : i32
      %dma_start3A_184 = tpu.memref_slice %arg6[%run_scoped3A_15, %dma_start3A_182, %dma_start3A_183] : memref<6x128x24xf32, #tpu.memory_space<vmem>> -> memref<1x128x24xf32, #tpu.memory_space<vmem>>
      %dma_start3A_185 = tpu.memref_squeeze %dma_start3A_184 : memref<1x128x24xf32, #tpu.memory_space<vmem>> -> memref<128x24xf32, #tpu.memory_space<vmem>>
      %dma_start3A_186 = arith.constant 0 : i32
      %dma_start3A_187 = tpu.memref_slice %arg7[%add3A_14, %dma_start3A_186] : memref<10240x24xf32, #tpu.memory_space<vmem_shared>> -> memref<128x24xf32, #tpu.memory_space<vmem_shared>>
      %dma_start3A_188 = arith.constant 0 : i32
      %dma_start3A_189 = tpu.memref_slice %arg7[%add3A_14, %dma_start3A_188] : memref<10240x24xf32, #tpu.memory_space<vmem_shared>> -> memref<128x24xf32, #tpu.memory_space<vmem_shared>>
      %dma_start3A_190 = arith.constant 0 : i32
      %dma_start3A_191 = arith.constant 0 : i32
      %dma_start3A_192 = tpu.memref_slice %arg6[%run_scoped3A_15, %dma_start3A_190, %dma_start3A_191] : memref<6x128x24xf32, #tpu.memory_space<vmem>> -> memref<1x128x24xf32, #tpu.memory_space<vmem>>
      %dma_start3A_193 = tpu.memref_squeeze %dma_start3A_192 : memref<1x128x24xf32, #tpu.memory_space<vmem>> -> memref<128x24xf32, #tpu.memory_space<vmem>>
      tpu.enqueue_dma source(%dma_start3A_193 : memref<128x24xf32, #tpu.memory_space<vmem>>) target(%dma_start3A_189 : memref<128x24xf32, #tpu.memory_space<vmem_shared>>) target_semaphore(%run_scoped3A_181 : memref<!tpu.dma_semaphore, #tpu.memory_space<semaphore_mem>>)
      %dma_wait3A_194 = arith.constant 0 : i32
      %dma_wait3A_195 = arith.constant 0 : i32
      %dma_wait3A_196 = tpu.memref_slice %arg6[%run_scoped3A_15, %dma_wait3A_194, %dma_wait3A_195] : memref<6x128x24xf32, #tpu.memory_space<vmem>> -> memref<1x128x24xf32, #tpu.memory_space<vmem>>
      %dma_wait3A_197 = tpu.memref_squeeze %dma_wait3A_196 : memref<1x128x24xf32, #tpu.memory_space<vmem>> -> memref<128x24xf32, #tpu.memory_space<vmem>>
      %dma_wait3A_198 = arith.constant 0 : i32
      %dma_wait3A_199 = tpu.memref_slice %arg7[%add3A_14, %dma_wait3A_198] : memref<10240x24xf32, #tpu.memory_space<vmem_shared>> -> memref<128x24xf32, #tpu.memory_space<vmem_shared>>
      %dma_wait3A_200 = arith.constant 0 : i32
      %dma_wait3A_201 = tpu.memref_slice %arg7[%add3A_14, %dma_wait3A_200] : memref<10240x24xf32, #tpu.memory_space<vmem_shared>> -> memref<128x24xf32, #tpu.memory_space<vmem_shared>>
      %dma_wait3A_202 = arith.constant 0 : i32
      %dma_wait3A_203 = arith.constant 0 : i32
      %dma_wait3A_204 = tpu.memref_slice %arg6[%run_scoped3A_15, %dma_wait3A_202, %dma_wait3A_203] : memref<6x128x24xf32, #tpu.memory_space<vmem>> -> memref<1x128x24xf32, #tpu.memory_space<vmem>>
      %dma_wait3A_205 = tpu.memref_squeeze %dma_wait3A_204 : memref<1x128x24xf32, #tpu.memory_space<vmem>> -> memref<128x24xf32, #tpu.memory_space<vmem>>
      tpu.wait_dma2 semaphore(%run_scoped3A_181 : memref<!tpu.dma_semaphore, #tpu.memory_space<semaphore_mem>>) src(%dma_wait3A_205 : memref<128x24xf32, #tpu.memory_space<vmem>>) dst(%dma_wait3A_201 : memref<128x24xf32, #tpu.memory_space<vmem_shared>>)
      tpu.yield
    }) : () -> ()
    %mul3A_16 = arith.constant 640 : i32
    %mul3A_17 = arith.muli %arg1, %mul3A_16 : i32
    %add3A_18 = arith.constant 256 : i32
    %add3A_19 = arith.addi %mul3A_17, %add3A_18 : i32
    %run_scoped3A_20 = arith.constant 0 : i32
    "tpu.region"() ({
      %run_scoped3A_181 = tpu.sem_alloc : memref<!tpu.dma_semaphore, #tpu.memory_space<semaphore_mem>>
      %dma_start3A_182 = arith.constant 0 : i32
      %dma_start3A_183 = arith.constant 0 : i32
      %dma_start3A_184 = tpu.memref_slice %arg6[%run_scoped3A_20, %dma_start3A_182, %dma_start3A_183] : memref<6x128x24xf32, #tpu.memory_space<vmem>> -> memref<1x128x24xf32, #tpu.memory_space<vmem>>
      %dma_start3A_185 = tpu.memref_squeeze %dma_start3A_184 : memref<1x128x24xf32, #tpu.memory_space<vmem>> -> memref<128x24xf32, #tpu.memory_space<vmem>>
      %dma_start3A_186 = arith.constant 0 : i32
      %dma_start3A_187 = tpu.memref_slice %arg7[%add3A_19, %dma_start3A_186] : memref<10240x24xf32, #tpu.memory_space<vmem_shared>> -> memref<128x24xf32, #tpu.memory_space<vmem_shared>>
      %dma_start3A_188 = arith.constant 0 : i32
      %dma_start3A_189 = tpu.memref_slice %arg7[%add3A_19, %dma_start3A_188] : memref<10240x24xf32, #tpu.memory_space<vmem_shared>> -> memref<128x24xf32, #tpu.memory_space<vmem_shared>>
      %dma_start3A_190 = arith.constant 0 : i32
      %dma_start3A_191 = arith.constant 0 : i32
      %dma_start3A_192 = tpu.memref_slice %arg6[%run_scoped3A_20, %dma_start3A_190, %dma_start3A_191] : memref<6x128x24xf32, #tpu.memory_space<vmem>> -> memref<1x128x24xf32, #tpu.memory_space<vmem>>
      %dma_start3A_193 = tpu.memref_squeeze %dma_start3A_192 : memref<1x128x24xf32, #tpu.memory_space<vmem>> -> memref<128x24xf32, #tpu.memory_space<vmem>>
      tpu.enqueue_dma source(%dma_start3A_193 : memref<128x24xf32, #tpu.memory_space<vmem>>) target(%dma_start3A_189 : memref<128x24xf32, #tpu.memory_space<vmem_shared>>) target_semaphore(%run_scoped3A_181 : memref<!tpu.dma_semaphore, #tpu.memory_space<semaphore_mem>>)
      %dma_wait3A_194 = arith.constant 0 : i32
      %dma_wait3A_195 = arith.constant 0 : i32
      %dma_wait3A_196 = tpu.memref_slice %arg6[%run_scoped3A_20, %dma_wait3A_194, %dma_wait3A_195] : memref<6x128x24xf32, #tpu.memory_space<vmem>> -> memref<1x128x24xf32, #tpu.memory_space<vmem>>
      %dma_wait3A_197 = tpu.memref_squeeze %dma_wait3A_196 : memref<1x128x24xf32, #tpu.memory_space<vmem>> -> memref<128x24xf32, #tpu.memory_space<vmem>>
      %dma_wait3A_198 = arith.constant 0 : i32
      %dma_wait3A_199 = tpu.memref_slice %arg7[%add3A_19, %dma_wait3A_198] : memref<10240x24xf32, #tpu.memory_space<vmem_shared>> -> memref<128x24xf32, #tpu.memory_space<vmem_shared>>
      %dma_wait3A_200 = arith.constant 0 : i32
      %dma_wait3A_201 = tpu.memref_slice %arg7[%add3A_19, %dma_wait3A_200] : memref<10240x24xf32, #tpu.memory_space<vmem_shared>> -> memref<128x24xf32, #tpu.memory_space<vmem_shared>>
      %dma_wait3A_202 = arith.constant 0 : i32
      %dma_wait3A_203 = arith.constant 0 : i32
      %dma_wait3A_204 = tpu.memref_slice %arg6[%run_scoped3A_20, %dma_wait3A_202, %dma_wait3A_203] : memref<6x128x24xf32, #tpu.memory_space<vmem>> -> memref<1x128x24xf32, #tpu.memory_space<vmem>>
      %dma_wait3A_205 = tpu.memref_squeeze %dma_wait3A_204 : memref<1x128x24xf32, #tpu.memory_space<vmem>> -> memref<128x24xf32, #tpu.memory_space<vmem>>
      tpu.wait_dma2 semaphore(%run_scoped3A_181 : memref<!tpu.dma_semaphore, #tpu.memory_space<semaphore_mem>>) src(%dma_wait3A_205 : memref<128x24xf32, #tpu.memory_space<vmem>>) dst(%dma_wait3A_201 : memref<128x24xf32, #tpu.memory_space<vmem_shared>>)
      tpu.yield
    }) : () -> ()
    %mul3A_21 = arith.constant 640 : i32
    %mul3A_22 = arith.muli %arg1, %mul3A_21 : i32
    %add3A_23 = arith.constant 384 : i32
    %add3A_24 = arith.addi %mul3A_22, %add3A_23 : i32
    %run_scoped3A_25 = arith.constant 0 : i32
    "tpu.region"() ({
      %run_scoped3A_181 = tpu.sem_alloc : memref<!tpu.dma_semaphore, #tpu.memory_space<semaphore_mem>>
      %dma_start3A_182 = arith.constant 0 : i32
      %dma_start3A_183 = arith.constant 0 : i32
      %dma_start3A_184 = tpu.memref_slice %arg6[%run_scoped3A_25, %dma_start3A_182, %dma_start3A_183] : memref<6x128x24xf32, #tpu.memory_space<vmem>> -> memref<1x128x24xf32, #tpu.memory_space<vmem>>
      %dma_start3A_185 = tpu.memref_squeeze %dma_start3A_184 : memref<1x128x24xf32, #tpu.memory_space<vmem>> -> memref<128x24xf32, #tpu.memory_space<vmem>>
      %dma_start3A_186 = arith.constant 0 : i32
      %dma_start3A_187 = tpu.memref_slice %arg7[%add3A_24, %dma_start3A_186] : memref<10240x24xf32, #tpu.memory_space<vmem_shared>> -> memref<128x24xf32, #tpu.memory_space<vmem_shared>>
      %dma_start3A_188 = arith.constant 0 : i32
      %dma_start3A_189 = tpu.memref_slice %arg7[%add3A_24, %dma_start3A_188] : memref<10240x24xf32, #tpu.memory_space<vmem_shared>> -> memref<128x24xf32, #tpu.memory_space<vmem_shared>>
      %dma_start3A_190 = arith.constant 0 : i32
      %dma_start3A_191 = arith.constant 0 : i32
      %dma_start3A_192 = tpu.memref_slice %arg6[%run_scoped3A_25, %dma_start3A_190, %dma_start3A_191] : memref<6x128x24xf32, #tpu.memory_space<vmem>> -> memref<1x128x24xf32, #tpu.memory_space<vmem>>
      %dma_start3A_193 = tpu.memref_squeeze %dma_start3A_192 : memref<1x128x24xf32, #tpu.memory_space<vmem>> -> memref<128x24xf32, #tpu.memory_space<vmem>>
      tpu.enqueue_dma source(%dma_start3A_193 : memref<128x24xf32, #tpu.memory_space<vmem>>) target(%dma_start3A_189 : memref<128x24xf32, #tpu.memory_space<vmem_shared>>) target_semaphore(%run_scoped3A_181 : memref<!tpu.dma_semaphore, #tpu.memory_space<semaphore_mem>>)
      %dma_wait3A_194 = arith.constant 0 : i32
      %dma_wait3A_195 = arith.constant 0 : i32
      %dma_wait3A_196 = tpu.memref_slice %arg6[%run_scoped3A_25, %dma_wait3A_194, %dma_wait3A_195] : memref<6x128x24xf32, #tpu.memory_space<vmem>> -> memref<1x128x24xf32, #tpu.memory_space<vmem>>
      %dma_wait3A_197 = tpu.memref_squeeze %dma_wait3A_196 : memref<1x128x24xf32, #tpu.memory_space<vmem>> -> memref<128x24xf32, #tpu.memory_space<vmem>>
      %dma_wait3A_198 = arith.constant 0 : i32
      %dma_wait3A_199 = tpu.memref_slice %arg7[%add3A_24, %dma_wait3A_198] : memref<10240x24xf32, #tpu.memory_space<vmem_shared>> -> memref<128x24xf32, #tpu.memory_space<vmem_shared>>
      %dma_wait3A_200 = arith.constant 0 : i32
      %dma_wait3A_201 = tpu.memref_slice %arg7[%add3A_24, %dma_wait3A_200] : memref<10240x24xf32, #tpu.memory_space<vmem_shared>> -> memref<128x24xf32, #tpu.memory_space<vmem_shared>>
      %dma_wait3A_202 = arith.constant 0 : i32
      %dma_wait3A_203 = arith.constant 0 : i32
      %dma_wait3A_204 = tpu.memref_slice %arg6[%run_scoped3A_25, %dma_wait3A_202, %dma_wait3A_203] : memref<6x128x24xf32, #tpu.memory_space<vmem>> -> memref<1x128x24xf32, #tpu.memory_space<vmem>>
      %dma_wait3A_205 = tpu.memref_squeeze %dma_wait3A_204 : memref<1x128x24xf32, #tpu.memory_space<vmem>> -> memref<128x24xf32, #tpu.memory_space<vmem>>
      tpu.wait_dma2 semaphore(%run_scoped3A_181 : memref<!tpu.dma_semaphore, #tpu.memory_space<semaphore_mem>>) src(%dma_wait3A_205 : memref<128x24xf32, #tpu.memory_space<vmem>>) dst(%dma_wait3A_201 : memref<128x24xf32, #tpu.memory_space<vmem_shared>>)
      tpu.yield
    }) : () -> ()
    %mul3A_26 = arith.constant 640 : i32
    %mul3A_27 = arith.muli %arg1, %mul3A_26 : i32
    %add3A_28 = arith.constant 512 : i32
    %add3A_29 = arith.addi %mul3A_27, %add3A_28 : i32
    %run_scoped3A_30 = arith.constant 0 : i32
    "tpu.region"() ({
      %run_scoped3A_181 = tpu.sem_alloc : memref<!tpu.dma_semaphore, #tpu.memory_space<semaphore_mem>>
      %dma_start3A_182 = arith.constant 0 : i32
      %dma_start3A_183 = arith.constant 0 : i32
      %dma_start3A_184 = tpu.memref_slice %arg6[%run_scoped3A_30, %dma_start3A_182, %dma_start3A_183] : memref<6x128x24xf32, #tpu.memory_space<vmem>> -> memref<1x128x24xf32, #tpu.memory_space<vmem>>
      %dma_start3A_185 = tpu.memref_squeeze %dma_start3A_184 : memref<1x128x24xf32, #tpu.memory_space<vmem>> -> memref<128x24xf32, #tpu.memory_space<vmem>>
      %dma_start3A_186 = arith.constant 0 : i32
      %dma_start3A_187 = tpu.memref_slice %arg7[%add3A_29, %dma_start3A_186] : memref<10240x24xf32, #tpu.memory_space<vmem_shared>> -> memref<128x24xf32, #tpu.memory_space<vmem_shared>>
      %dma_start3A_188 = arith.constant 0 : i32
      %dma_start3A_189 = tpu.memref_slice %arg7[%add3A_29, %dma_start3A_188] : memref<10240x24xf32, #tpu.memory_space<vmem_shared>> -> memref<128x24xf32, #tpu.memory_space<vmem_shared>>
      %dma_start3A_190 = arith.constant 0 : i32
      %dma_start3A_191 = arith.constant 0 : i32
      %dma_start3A_192 = tpu.memref_slice %arg6[%run_scoped3A_30, %dma_start3A_190, %dma_start3A_191] : memref<6x128x24xf32, #tpu.memory_space<vmem>> -> memref<1x128x24xf32, #tpu.memory_space<vmem>>
      %dma_start3A_193 = tpu.memref_squeeze %dma_start3A_192 : memref<1x128x24xf32, #tpu.memory_space<vmem>> -> memref<128x24xf32, #tpu.memory_space<vmem>>
      tpu.enqueue_dma source(%dma_start3A_193 : memref<128x24xf32, #tpu.memory_space<vmem>>) target(%dma_start3A_189 : memref<128x24xf32, #tpu.memory_space<vmem_shared>>) target_semaphore(%run_scoped3A_181 : memref<!tpu.dma_semaphore, #tpu.memory_space<semaphore_mem>>)
      %dma_wait3A_194 = arith.constant 0 : i32
      %dma_wait3A_195 = arith.constant 0 : i32
      %dma_wait3A_196 = tpu.memref_slice %arg6[%run_scoped3A_30, %dma_wait3A_194, %dma_wait3A_195] : memref<6x128x24xf32, #tpu.memory_space<vmem>> -> memref<1x128x24xf32, #tpu.memory_space<vmem>>
      %dma_wait3A_197 = tpu.memref_squeeze %dma_wait3A_196 : memref<1x128x24xf32, #tpu.memory_space<vmem>> -> memref<128x24xf32, #tpu.memory_space<vmem>>
      %dma_wait3A_198 = arith.constant 0 : i32
      %dma_wait3A_199 = tpu.memref_slice %arg7[%add3A_29, %dma_wait3A_198] : memref<10240x24xf32, #tpu.memory_space<vmem_shared>> -> memref<128x24xf32, #tpu.memory_space<vmem_shared>>
      %dma_wait3A_200 = arith.constant 0 : i32
      %dma_wait3A_201 = tpu.memref_slice %arg7[%add3A_29, %dma_wait3A_200] : memref<10240x24xf32, #tpu.memory_space<vmem_shared>> -> memref<128x24xf32, #tpu.memory_space<vmem_shared>>
      %dma_wait3A_202 = arith.constant 0 : i32
      %dma_wait3A_203 = arith.constant 0 : i32
      %dma_wait3A_204 = tpu.memref_slice %arg6[%run_scoped3A_30, %dma_wait3A_202, %dma_wait3A_203] : memref<6x128x24xf32, #tpu.memory_space<vmem>> -> memref<1x128x24xf32, #tpu.memory_space<vmem>>
      %dma_wait3A_205 = tpu.memref_squeeze %dma_wait3A_204 : memref<1x128x24xf32, #tpu.memory_space<vmem>> -> memref<128x24xf32, #tpu.memory_space<vmem>>
      tpu.wait_dma2 semaphore(%run_scoped3A_181 : memref<!tpu.dma_semaphore, #tpu.memory_space<semaphore_mem>>) src(%dma_wait3A_205 : memref<128x24xf32, #tpu.memory_space<vmem>>) dst(%dma_wait3A_201 : memref<128x24xf32, #tpu.memory_space<vmem_shared>>)
      tpu.yield
    }) : () -> ()
    %barrier3A = arith.constant 0 : index
    tpu.barrier barrier_id(%barrier3A)
    %mul3A_31 = arith.constant 80 : i32
    %mul3A_32 = arith.muli %add3A, %mul3A_31 : i32
    "tpu.region"() ({
      %run_scoped3A_181 = tpu.sem_alloc : memref<!tpu.dma_semaphore, #tpu.memory_space<semaphore_mem>>
      %dma_start3A_182 = arith.constant 0 : i32
      %dma_start3A_183 = tpu.memref_slice %arg3[%mul3A_32, %dma_start3A_182] : memref<2560x128xi32, #tpu.memory_space<hbm>> -> memref<80x128xi32, #tpu.memory_space<hbm>>
      %dma_start3A_184 = arith.constant 0 : i32
      %dma_start3A_185 = tpu.memref_slice %arg3[%mul3A_32, %dma_start3A_184] : memref<2560x128xi32, #tpu.memory_space<hbm>> -> memref<80x128xi32, #tpu.memory_space<hbm>>
      tpu.enqueue_dma source(%dma_start3A_185 : memref<80x128xi32, #tpu.memory_space<hbm>>) target(%arg5 : memref<80x128xi32, #tpu.memory_space<vmem>>) target_semaphore(%run_scoped3A_181 : memref<!tpu.dma_semaphore, #tpu.memory_space<semaphore_mem>>)
      %dma_wait3A_186 = arith.constant 0 : i32
      %dma_wait3A_187 = tpu.memref_slice %arg3[%mul3A_32, %dma_wait3A_186] : memref<2560x128xi32, #tpu.memory_space<hbm>> -> memref<80x128xi32, #tpu.memory_space<hbm>>
      %dma_wait3A_188 = arith.constant 0 : i32
      %dma_wait3A_189 = tpu.memref_slice %arg3[%mul3A_32, %dma_wait3A_188] : memref<2560x128xi32, #tpu.memory_space<hbm>> -> memref<80x128xi32, #tpu.memory_space<hbm>>
      tpu.wait_dma2 semaphore(%run_scoped3A_181 : memref<!tpu.dma_semaphore, #tpu.memory_space<semaphore_mem>>) src(%dma_wait3A_189 : memref<80x128xi32, #tpu.memory_space<hbm>>) dst(%arg5 : memref<80x128xi32, #tpu.memory_space<vmem>>)
      tpu.yield
    }) : () -> ()
    %add3A_33 = arith.constant 0 : i32
    %add3A_34 = arith.addi %mul3A_32, %add3A_33 : i32
    %mul3A_35 = arith.constant 128 : i32
    %mul3A_36 = arith.muli %add3A_34, %mul3A_35 : i32
    %dma_start3A = arith.constant 0 : i32
    %dma_start3A_37 = arith.constant 0 : i32
    %dma_start3A_38 = arith.constant 0 : i32
    %dma_start3A_39 = tpu.memref_slice %arg6[%dma_start3A, %dma_start3A_37, %dma_start3A_38] : memref<6x128x24xf32, #tpu.memory_space<vmem>> -> memref<1x128x24xf32, #tpu.memory_space<vmem>>
    %dma_start3A_40 = tpu.memref_squeeze %dma_start3A_39 : memref<1x128x24xf32, #tpu.memory_space<vmem>> -> memref<128x24xf32, #tpu.memory_space<vmem>>
    %dma_start3A_41 = arith.constant 0 : i32
    %dma_start3A_42 = tpu.memref_slice %arg2[%mul3A_36, %dma_start3A_41] : memref<327680x24xf32, #tpu.memory_space<hbm>> -> memref<128x24xf32, #tpu.memory_space<hbm>>
    %dma_start3A_43 = arith.constant 0 : i32
    %dma_start3A_44 = arith.constant 0 : i32
    %dma_start3A_45 = tpu.memref_slice %arg6[%dma_start3A, %dma_start3A_43, %dma_start3A_44] : memref<6x128x24xf32, #tpu.memory_space<vmem>> -> memref<1x128x24xf32, #tpu.memory_space<vmem>>
    %dma_start3A_46 = tpu.memref_squeeze %dma_start3A_45 : memref<1x128x24xf32, #tpu.memory_space<vmem>> -> memref<128x24xf32, #tpu.memory_space<vmem>>
    %dma_start3A_47 = arith.constant 0 : i32
    %dma_start3A_48 = tpu.memref_slice %arg2[%mul3A_36, %dma_start3A_47] : memref<327680x24xf32, #tpu.memory_space<hbm>> -> memref<128x24xf32, #tpu.memory_space<hbm>>
    tpu.enqueue_dma source(%dma_start3A_48 : memref<128x24xf32, #tpu.memory_space<hbm>>) target(%dma_start3A_46 : memref<128x24xf32, #tpu.memory_space<vmem>>) target_semaphore(%arg8 : memref<!tpu.dma_semaphore, #tpu.memory_space<semaphore_mem>>)
    %add3A_49 = arith.constant 1 : i32
    %add3A_50 = arith.addi %mul3A_32, %add3A_49 : i32
    %mul3A_51 = arith.constant 128 : i32
    %mul3A_52 = arith.muli %add3A_50, %mul3A_51 : i32
    %dma_start3A_53 = arith.constant 1 : i32
    %dma_start3A_54 = arith.constant 0 : i32
    %dma_start3A_55 = arith.constant 0 : i32
    %dma_start3A_56 = tpu.memref_slice %arg6[%dma_start3A_53, %dma_start3A_54, %dma_start3A_55] : memref<6x128x24xf32, #tpu.memory_space<vmem>> -> memref<1x128x24xf32, #tpu.memory_space<vmem>>
    %dma_start3A_57 = tpu.memref_squeeze %dma_start3A_56 : memref<1x128x24xf32, #tpu.memory_space<vmem>> -> memref<128x24xf32, #tpu.memory_space<vmem>>
    %dma_start3A_58 = arith.constant 0 : i32
    %dma_start3A_59 = tpu.memref_slice %arg2[%mul3A_52, %dma_start3A_58] : memref<327680x24xf32, #tpu.memory_space<hbm>> -> memref<128x24xf32, #tpu.memory_space<hbm>>
    %dma_start3A_60 = arith.constant 0 : i32
    %dma_start3A_61 = arith.constant 0 : i32
    %dma_start3A_62 = tpu.memref_slice %arg6[%dma_start3A_53, %dma_start3A_60, %dma_start3A_61] : memref<6x128x24xf32, #tpu.memory_space<vmem>> -> memref<1x128x24xf32, #tpu.memory_space<vmem>>
    %dma_start3A_63 = tpu.memref_squeeze %dma_start3A_62 : memref<1x128x24xf32, #tpu.memory_space<vmem>> -> memref<128x24xf32, #tpu.memory_space<vmem>>
    %dma_start3A_64 = arith.constant 0 : i32
    %dma_start3A_65 = tpu.memref_slice %arg2[%mul3A_52, %dma_start3A_64] : memref<327680x24xf32, #tpu.memory_space<hbm>> -> memref<128x24xf32, #tpu.memory_space<hbm>>
    tpu.enqueue_dma source(%dma_start3A_65 : memref<128x24xf32, #tpu.memory_space<hbm>>) target(%dma_start3A_63 : memref<128x24xf32, #tpu.memory_space<vmem>>) target_semaphore(%arg8 : memref<!tpu.dma_semaphore, #tpu.memory_space<semaphore_mem>>)
    %add3A_66 = arith.constant 2 : i32
    %add3A_67 = arith.addi %mul3A_32, %add3A_66 : i32
    %mul3A_68 = arith.constant 128 : i32
    %mul3A_69 = arith.muli %add3A_67, %mul3A_68 : i32
    %dma_start3A_70 = arith.constant 2 : i32
    %dma_start3A_71 = arith.constant 0 : i32
    %dma_start3A_72 = arith.constant 0 : i32
    %dma_start3A_73 = tpu.memref_slice %arg6[%dma_start3A_70, %dma_start3A_71, %dma_start3A_72] : memref<6x128x24xf32, #tpu.memory_space<vmem>> -> memref<1x128x24xf32, #tpu.memory_space<vmem>>
    %dma_start3A_74 = tpu.memref_squeeze %dma_start3A_73 : memref<1x128x24xf32, #tpu.memory_space<vmem>> -> memref<128x24xf32, #tpu.memory_space<vmem>>
    %dma_start3A_75 = arith.constant 0 : i32
    %dma_start3A_76 = tpu.memref_slice %arg2[%mul3A_69, %dma_start3A_75] : memref<327680x24xf32, #tpu.memory_space<hbm>> -> memref<128x24xf32, #tpu.memory_space<hbm>>
    %dma_start3A_77 = arith.constant 0 : i32
    %dma_start3A_78 = arith.constant 0 : i32
    %dma_start3A_79 = tpu.memref_slice %arg6[%dma_start3A_70, %dma_start3A_77, %dma_start3A_78] : memref<6x128x24xf32, #tpu.memory_space<vmem>> -> memref<1x128x24xf32, #tpu.memory_space<vmem>>
    %dma_start3A_80 = tpu.memref_squeeze %dma_start3A_79 : memref<1x128x24xf32, #tpu.memory_space<vmem>> -> memref<128x24xf32, #tpu.memory_space<vmem>>
    %dma_start3A_81 = arith.constant 0 : i32
    %dma_start3A_82 = tpu.memref_slice %arg2[%mul3A_69, %dma_start3A_81] : memref<327680x24xf32, #tpu.memory_space<hbm>> -> memref<128x24xf32, #tpu.memory_space<hbm>>
    tpu.enqueue_dma source(%dma_start3A_82 : memref<128x24xf32, #tpu.memory_space<hbm>>) target(%dma_start3A_80 : memref<128x24xf32, #tpu.memory_space<vmem>>) target_semaphore(%arg8 : memref<!tpu.dma_semaphore, #tpu.memory_space<semaphore_mem>>)
    %add3A_83 = arith.constant 3 : i32
    %add3A_84 = arith.addi %mul3A_32, %add3A_83 : i32
    %mul3A_85 = arith.constant 128 : i32
    %mul3A_86 = arith.muli %add3A_84, %mul3A_85 : i32
    %dma_start3A_87 = arith.constant 3 : i32
    %dma_start3A_88 = arith.constant 0 : i32
    %dma_start3A_89 = arith.constant 0 : i32
    %dma_start3A_90 = tpu.memref_slice %arg6[%dma_start3A_87, %dma_start3A_88, %dma_start3A_89] : memref<6x128x24xf32, #tpu.memory_space<vmem>> -> memref<1x128x24xf32, #tpu.memory_space<vmem>>
    %dma_start3A_91 = tpu.memref_squeeze %dma_start3A_90 : memref<1x128x24xf32, #tpu.memory_space<vmem>> -> memref<128x24xf32, #tpu.memory_space<vmem>>
    %dma_start3A_92 = arith.constant 0 : i32
    %dma_start3A_93 = tpu.memref_slice %arg2[%mul3A_86, %dma_start3A_92] : memref<327680x24xf32, #tpu.memory_space<hbm>> -> memref<128x24xf32, #tpu.memory_space<hbm>>
    %dma_start3A_94 = arith.constant 0 : i32
    %dma_start3A_95 = arith.constant 0 : i32
    %dma_start3A_96 = tpu.memref_slice %arg6[%dma_start3A_87, %dma_start3A_94, %dma_start3A_95] : memref<6x128x24xf32, #tpu.memory_space<vmem>> -> memref<1x128x24xf32, #tpu.memory_space<vmem>>
    %dma_start3A_97 = tpu.memref_squeeze %dma_start3A_96 : memref<1x128x24xf32, #tpu.memory_space<vmem>> -> memref<128x24xf32, #tpu.memory_space<vmem>>
    %dma_start3A_98 = arith.constant 0 : i32
    %dma_start3A_99 = tpu.memref_slice %arg2[%mul3A_86, %dma_start3A_98] : memref<327680x24xf32, #tpu.memory_space<hbm>> -> memref<128x24xf32, #tpu.memory_space<hbm>>
    tpu.enqueue_dma source(%dma_start3A_99 : memref<128x24xf32, #tpu.memory_space<hbm>>) target(%dma_start3A_97 : memref<128x24xf32, #tpu.memory_space<vmem>>) target_semaphore(%arg8 : memref<!tpu.dma_semaphore, #tpu.memory_space<semaphore_mem>>)
    %scan3A_100 = arith.constant 0 : i32
    %scan3A_101 = arith.constant 80 : i32
    %scan3A_102 = arith.addi %scan3A_100, %scan3A_101 : i32
    %scan3A_103 = arith.constant 1 : i32
    scf.for %scan3A_181 = %scan3A_100 to %scan3A_102 step %scan3A_103  : i32 {
      %mul3A_182 = arith.constant 1 : i32
      %mul3A_183 = arith.muli %scan3A_181, %mul3A_182 : i32
      %add3A_184 = arith.constant 0 : i32
      %add3A_185 = arith.addi %add3A_184, %mul3A_183 : i32
      %rem3A = arith.constant 6 : i32
      %rem3A_186 = arith.remsi %add3A_185, %rem3A : i32
      %dma_wait3A_187 = arith.constant 0 : i32
      %dma_wait3A_188 = arith.constant 0 : i32
      %dma_wait3A_189 = tpu.memref_slice %arg6[%rem3A_186, %dma_wait3A_187, %dma_wait3A_188] : memref<6x128x24xf32, #tpu.memory_space<vmem>> -> memref<1x128x24xf32, #tpu.memory_space<vmem>>
      %dma_wait3A_190 = tpu.memref_squeeze %dma_wait3A_189 : memref<1x128x24xf32, #tpu.memory_space<vmem>> -> memref<128x24xf32, #tpu.memory_space<vmem>>
      %dma_wait3A_191 = arith.constant 0 : i32
      %dma_wait3A_192 = arith.constant 0 : i32
      %dma_wait3A_193 = tpu.memref_slice %arg2[%dma_wait3A_191, %dma_wait3A_192] : memref<327680x24xf32, #tpu.memory_space<hbm>> -> memref<128x24xf32, #tpu.memory_space<hbm>>
      %dma_wait3A_194 = arith.constant 0 : i32
      %dma_wait3A_195 = arith.constant 0 : i32
      %dma_wait3A_196 = tpu.memref_slice %arg6[%rem3A_186, %dma_wait3A_194, %dma_wait3A_195] : memref<6x128x24xf32, #tpu.memory_space<vmem>> -> memref<1x128x24xf32, #tpu.memory_space<vmem>>
      %dma_wait3A_197 = tpu.memref_squeeze %dma_wait3A_196 : memref<1x128x24xf32, #tpu.memory_space<vmem>> -> memref<128x24xf32, #tpu.memory_space<vmem>>
      %dma_wait3A_198 = arith.constant 0 : i32
      %dma_wait3A_199 = arith.constant 0 : i32
      %dma_wait3A_200 = tpu.memref_slice %arg2[%dma_wait3A_198, %dma_wait3A_199] : memref<327680x24xf32, #tpu.memory_space<hbm>> -> memref<128x24xf32, #tpu.memory_space<hbm>>
      tpu.wait_dma2 semaphore(%arg8 : memref<!tpu.dma_semaphore, #tpu.memory_space<semaphore_mem>>) src(%dma_wait3A_200 : memref<128x24xf32, #tpu.memory_space<hbm>>) dst(%dma_wait3A_197 : memref<128x24xf32, #tpu.memory_space<vmem>>)
      %dma_start3A_201 = arith.constant 0 : i32
      %dma_start3A_202 = arith.constant 0 : i32
      %dma_start3A_203 = tpu.memref_slice %arg6[%rem3A_186, %dma_start3A_201, %dma_start3A_202] : memref<6x128x24xf32, #tpu.memory_space<vmem>> -> memref<1x128x24xf32, #tpu.memory_space<vmem>>
      %dma_start3A_204 = tpu.memref_squeeze %dma_start3A_203 : memref<1x128x24xf32, #tpu.memory_space<vmem>> -> memref<128x24xf32, #tpu.memory_space<vmem>>
      %dma_start3A_205 = arith.constant 0 : i32
      %dma_start3A_206 = tpu.memref_slice %arg5[%add3A_185, %dma_start3A_205] : memref<80x128xi32, #tpu.memory_space<vmem>> -> memref<1x128xi32, #tpu.memory_space<vmem>>
      %dma_start3A_207 = tpu.memref_squeeze %dma_start3A_206 : memref<1x128xi32, #tpu.memory_space<vmem>> -> memref<128xi32, #tpu.memory_space<vmem>>
      %dma_start3A_208 = arith.constant 0 : i32
      %dma_start3A_209 = arith.constant 0 : i32
      %dma_start3A_210 = tpu.memref_slice %arg7[%dma_start3A_208, %dma_start3A_209] : memref<10240x24xf32, #tpu.memory_space<vmem_shared>> -> memref<10240x24xf32, #tpu.memory_space<vmem_shared>>
      tpu.enqueue_indirect_dma source(%dma_start3A_204 : memref<128x24xf32, #tpu.memory_space<vmem>>) target(%dma_start3A_210 : memref<10240x24xf32, #tpu.memory_space<vmem_shared>>) offsets(%dma_start3A_207 : memref<128xi32, #tpu.memory_space<vmem>>) semaphore(%arg9 : memref<!tpu.dma_semaphore, #tpu.memory_space<semaphore_mem>>) {add = true}
      %ge3A = arith.constant 2 : i32
      %ge3A_211 = arith.cmpi sge, %add3A_185, %ge3A : i32
      %add3A_212 = arith.constant 4 : i32
      %add3A_213 = arith.addi %add3A_185, %add3A_212 : i32
      %lt3A = arith.constant 80 : i32
      %lt3A_214 = arith.cmpi slt, %add3A_213, %lt3A : i32
      %and3A = arith.andi %ge3A_211, %lt3A_214 : i1
      %convert_element_type3A = arith.extui %and3A : i1 to i32
      %cond3A = arith.constant 0 : i32
      %cond3A_215 = arith.cmpi ne, %convert_element_type3A, %cond3A : i32
      scf.if %cond3A_215 {
        %dma_wait3A_223 = arith.constant 0 : i32
        %dma_wait3A_224 = arith.constant 0 : i32
        %dma_wait3A_225 = arith.constant 0 : i32
        %dma_wait3A_226 = arith.constant 0 : i32
        %dma_wait3A_227 = tpu.memref_slice %arg6[%dma_wait3A_223, %dma_wait3A_225, %dma_wait3A_226] : memref<6x128x24xf32, #tpu.memory_space<vmem>> -> memref<1x128x24xf32, #tpu.memory_space<vmem>>
        %dma_wait3A_228 = tpu.memref_squeeze %dma_wait3A_227 : memref<1x128x24xf32, #tpu.memory_space<vmem>> -> memref<128x24xf32, #tpu.memory_space<vmem>>
        %dma_wait3A_229 = arith.constant 0 : i32
        %dma_wait3A_230 = tpu.memref_slice %arg5[%dma_wait3A_224, %dma_wait3A_229] : memref<80x128xi32, #tpu.memory_space<vmem>> -> memref<1x128xi32, #tpu.memory_space<vmem>>
        %dma_wait3A_231 = tpu.memref_squeeze %dma_wait3A_230 : memref<1x128xi32, #tpu.memory_space<vmem>> -> memref<128xi32, #tpu.memory_space<vmem>>
        %dma_wait3A_232 = arith.constant 0 : i32
        %dma_wait3A_233 = arith.constant 0 : i32
        %dma_wait3A_234 = tpu.memref_slice %arg7[%dma_wait3A_232, %dma_wait3A_233] : memref<10240x24xf32, #tpu.memory_space<vmem_shared>> -> memref<10240x24xf32, #tpu.memory_space<vmem_shared>>
        tpu.wait_indirect_dma semaphore(%arg9 : memref<!tpu.dma_semaphore, #tpu.memory_space<semaphore_mem>>) src(%dma_wait3A_228 : memref<128x24xf32, #tpu.memory_space<vmem>>) dst(%dma_wait3A_234 : memref<10240x24xf32, #tpu.memory_space<vmem_shared>>)
      } else {
      }
      %add3A_216 = arith.constant 4 : i32
      %add3A_217 = arith.addi %add3A_185, %add3A_216 : i32
      %lt3A_218 = arith.constant 80 : i32
      %lt3A_219 = arith.cmpi slt, %add3A_217, %lt3A_218 : i32
      %convert_element_type3A_220 = arith.extui %lt3A_219 : i1 to i32
      %cond3A_221 = arith.constant 0 : i32
      %cond3A_222 = arith.cmpi ne, %convert_element_type3A_220, %cond3A_221 : i32
      scf.if %cond3A_222 {
        %add3A_223 = arith.constant 4 : i32
        %add3A_224 = arith.addi %add3A_185, %add3A_223 : i32
        %add3A_225 = arith.constant 4 : i32
        %add3A_226 = arith.addi %add3A_185, %add3A_225 : i32
        %rem3A_227 = arith.constant 6 : i32
        %rem3A_228 = arith.remsi %add3A_226, %rem3A_227 : i32
        %add3A_229 = arith.addi %mul3A_32, %add3A_224 : i32
        %mul3A_230 = arith.constant 128 : i32
        %mul3A_231 = arith.muli %add3A_229, %mul3A_230 : i32
        %dma_start3A_232 = arith.constant 0 : i32
        %dma_start3A_233 = arith.constant 0 : i32
        %dma_start3A_234 = tpu.memref_slice %arg6[%rem3A_228, %dma_start3A_232, %dma_start3A_233] : memref<6x128x24xf32, #tpu.memory_space<vmem>> -> memref<1x128x24xf32, #tpu.memory_space<vmem>>
        %dma_start3A_235 = tpu.memref_squeeze %dma_start3A_234 : memref<1x128x24xf32, #tpu.memory_space<vmem>> -> memref<128x24xf32, #tpu.memory_space<vmem>>
        %dma_start3A_236 = arith.constant 0 : i32
        %dma_start3A_237 = tpu.memref_slice %arg2[%mul3A_231, %dma_start3A_236] : memref<327680x24xf32, #tpu.memory_space<hbm>> -> memref<128x24xf32, #tpu.memory_space<hbm>>
        %dma_start3A_238 = arith.constant 0 : i32
        %dma_start3A_239 = arith.constant 0 : i32
        %dma_start3A_240 = tpu.memref_slice %arg6[%rem3A_228, %dma_start3A_238, %dma_start3A_239] : memref<6x128x24xf32, #tpu.memory_space<vmem>> -> memref<1x128x24xf32, #tpu.memory_space<vmem>>
        %dma_start3A_241 = tpu.memref_squeeze %dma_start3A_240 : memref<1x128x24xf32, #tpu.memory_space<vmem>> -> memref<128x24xf32, #tpu.memory_space<vmem>>
        %dma_start3A_242 = arith.constant 0 : i32
        %dma_start3A_243 = tpu.memref_slice %arg2[%mul3A_231, %dma_start3A_242] : memref<327680x24xf32, #tpu.memory_space<hbm>> -> memref<128x24xf32, #tpu.memory_space<hbm>>
        tpu.enqueue_dma source(%dma_start3A_243 : memref<128x24xf32, #tpu.memory_space<hbm>>) target(%dma_start3A_241 : memref<128x24xf32, #tpu.memory_space<vmem>>) target_semaphore(%arg8 : memref<!tpu.dma_semaphore, #tpu.memory_space<semaphore_mem>>)
      } else {
      }
    }
    %scan3A_104 = arith.constant 80 : i32
    %dma_wait3A = arith.constant 0 : i32
    %dma_wait3A_105 = arith.constant 0 : i32
    %dma_wait3A_106 = arith.constant 0 : i32
    %dma_wait3A_107 = arith.constant 0 : i32
    %dma_wait3A_108 = tpu.memref_slice %arg6[%dma_wait3A, %dma_wait3A_106, %dma_wait3A_107] : memref<6x128x24xf32, #tpu.memory_space<vmem>> -> memref<1x128x24xf32, #tpu.memory_space<vmem>>
    %dma_wait3A_109 = tpu.memref_squeeze %dma_wait3A_108 : memref<1x128x24xf32, #tpu.memory_space<vmem>> -> memref<128x24xf32, #tpu.memory_space<vmem>>
    %dma_wait3A_110 = arith.constant 0 : i32
    %dma_wait3A_111 = tpu.memref_slice %arg5[%dma_wait3A_105, %dma_wait3A_110] : memref<80x128xi32, #tpu.memory_space<vmem>> -> memref<1x128xi32, #tpu.memory_space<vmem>>
    %dma_wait3A_112 = tpu.memref_squeeze %dma_wait3A_111 : memref<1x128xi32, #tpu.memory_space<vmem>> -> memref<128xi32, #tpu.memory_space<vmem>>
    %dma_wait3A_113 = arith.constant 0 : i32
    %dma_wait3A_114 = arith.constant 0 : i32
    %dma_wait3A_115 = tpu.memref_slice %arg7[%dma_wait3A_113, %dma_wait3A_114] : memref<10240x24xf32, #tpu.memory_space<vmem_shared>> -> memref<10240x24xf32, #tpu.memory_space<vmem_shared>>
    tpu.wait_indirect_dma semaphore(%arg9 : memref<!tpu.dma_semaphore, #tpu.memory_space<semaphore_mem>>) src(%dma_wait3A_109 : memref<128x24xf32, #tpu.memory_space<vmem>>) dst(%dma_wait3A_115 : memref<10240x24xf32, #tpu.memory_space<vmem_shared>>)
    %dma_wait3A_116 = arith.constant 0 : i32
    %dma_wait3A_117 = arith.constant 0 : i32
    %dma_wait3A_118 = arith.constant 0 : i32
    %dma_wait3A_119 = arith.constant 0 : i32
    %dma_wait3A_120 = tpu.memref_slice %arg6[%dma_wait3A_116, %dma_wait3A_118, %dma_wait3A_119] : memref<6x128x24xf32, #tpu.memory_space<vmem>> -> memref<1x128x24xf32, #tpu.memory_space<vmem>>
    %dma_wait3A_121 = tpu.memref_squeeze %dma_wait3A_120 : memref<1x128x24xf32, #tpu.memory_space<vmem>> -> memref<128x24xf32, #tpu.memory_space<vmem>>
    %dma_wait3A_122 = arith.constant 0 : i32
    %dma_wait3A_123 = tpu.memref_slice %arg5[%dma_wait3A_117, %dma_wait3A_122] : memref<80x128xi32, #tpu.memory_space<vmem>> -> memref<1x128xi32, #tpu.memory_space<vmem>>
    %dma_wait3A_124 = tpu.memref_squeeze %dma_wait3A_123 : memref<1x128xi32, #tpu.memory_space<vmem>> -> memref<128xi32, #tpu.memory_space<vmem>>
    %dma_wait3A_125 = arith.constant 0 : i32
    %dma_wait3A_126 = arith.constant 0 : i32
    %dma_wait3A_127 = tpu.memref_slice %arg7[%dma_wait3A_125, %dma_wait3A_126] : memref<10240x24xf32, #tpu.memory_space<vmem_shared>> -> memref<10240x24xf32, #tpu.memory_space<vmem_shared>>
    tpu.wait_indirect_dma semaphore(%arg9 : memref<!tpu.dma_semaphore, #tpu.memory_space<semaphore_mem>>) src(%dma_wait3A_121 : memref<128x24xf32, #tpu.memory_space<vmem>>) dst(%dma_wait3A_127 : memref<10240x24xf32, #tpu.memory_space<vmem_shared>>)
    %dma_wait3A_128 = arith.constant 0 : i32
    %dma_wait3A_129 = arith.constant 0 : i32
    %dma_wait3A_130 = arith.constant 0 : i32
    %dma_wait3A_131 = arith.constant 0 : i32
    %dma_wait3A_132 = tpu.memref_slice %arg6[%dma_wait3A_128, %dma_wait3A_130, %dma_wait3A_131] : memref<6x128x24xf32, #tpu.memory_space<vmem>> -> memref<1x128x24xf32, #tpu.memory_space<vmem>>
    %dma_wait3A_133 = tpu.memref_squeeze %dma_wait3A_132 : memref<1x128x24xf32, #tpu.memory_space<vmem>> -> memref<128x24xf32, #tpu.memory_space<vmem>>
    %dma_wait3A_134 = arith.constant 0 : i32
    %dma_wait3A_135 = tpu.memref_slice %arg5[%dma_wait3A_129, %dma_wait3A_134] : memref<80x128xi32, #tpu.memory_space<vmem>> -> memref<1x128xi32, #tpu.memory_space<vmem>>
    %dma_wait3A_136 = tpu.memref_squeeze %dma_wait3A_135 : memref<1x128xi32, #tpu.memory_space<vmem>> -> memref<128xi32, #tpu.memory_space<vmem>>
    %dma_wait3A_137 = arith.constant 0 : i32
    %dma_wait3A_138 = arith.constant 0 : i32
    %dma_wait3A_139 = tpu.memref_slice %arg7[%dma_wait3A_137, %dma_wait3A_138] : memref<10240x24xf32, #tpu.memory_space<vmem_shared>> -> memref<10240x24xf32, #tpu.memory_space<vmem_shared>>
    tpu.wait_indirect_dma semaphore(%arg9 : memref<!tpu.dma_semaphore, #tpu.memory_space<semaphore_mem>>) src(%dma_wait3A_133 : memref<128x24xf32, #tpu.memory_space<vmem>>) dst(%dma_wait3A_139 : memref<10240x24xf32, #tpu.memory_space<vmem_shared>>)
    %dma_wait3A_140 = arith.constant 0 : i32
    %dma_wait3A_141 = arith.constant 0 : i32
    %dma_wait3A_142 = arith.constant 0 : i32
    %dma_wait3A_143 = arith.constant 0 : i32
    %dma_wait3A_144 = tpu.memref_slice %arg6[%dma_wait3A_140, %dma_wait3A_142, %dma_wait3A_143] : memref<6x128x24xf32, #tpu.memory_space<vmem>> -> memref<1x128x24xf32, #tpu.memory_space<vmem>>
    %dma_wait3A_145 = tpu.memref_squeeze %dma_wait3A_144 : memref<1x128x24xf32, #tpu.memory_space<vmem>> -> memref<128x24xf32, #tpu.memory_space<vmem>>
    %dma_wait3A_146 = arith.constant 0 : i32
    %dma_wait3A_147 = tpu.memref_slice %arg5[%dma_wait3A_141, %dma_wait3A_146] : memref<80x128xi32, #tpu.memory_space<vmem>> -> memref<1x128xi32, #tpu.memory_space<vmem>>
    %dma_wait3A_148 = tpu.memref_squeeze %dma_wait3A_147 : memref<1x128xi32, #tpu.memory_space<vmem>> -> memref<128xi32, #tpu.memory_space<vmem>>
    %dma_wait3A_149 = arith.constant 0 : i32
    %dma_wait3A_150 = arith.constant 0 : i32
    %dma_wait3A_151 = tpu.memref_slice %arg7[%dma_wait3A_149, %dma_wait3A_150] : memref<10240x24xf32, #tpu.memory_space<vmem_shared>> -> memref<10240x24xf32, #tpu.memory_space<vmem_shared>>
    tpu.wait_indirect_dma semaphore(%arg9 : memref<!tpu.dma_semaphore, #tpu.memory_space<semaphore_mem>>) src(%dma_wait3A_145 : memref<128x24xf32, #tpu.memory_space<vmem>>) dst(%dma_wait3A_151 : memref<10240x24xf32, #tpu.memory_space<vmem_shared>>)
    %dma_wait3A_152 = arith.constant 0 : i32
    %dma_wait3A_153 = arith.constant 0 : i32
    %dma_wait3A_154 = arith.constant 0 : i32
    %dma_wait3A_155 = arith.constant 0 : i32
    %dma_wait3A_156 = tpu.memref_slice %arg6[%dma_wait3A_152, %dma_wait3A_154, %dma_wait3A_155] : memref<6x128x24xf32, #tpu.memory_space<vmem>> -> memref<1x128x24xf32, #tpu.memory_space<vmem>>
    %dma_wait3A_157 = tpu.memref_squeeze %dma_wait3A_156 : memref<1x128x24xf32, #tpu.memory_space<vmem>> -> memref<128x24xf32, #tpu.memory_space<vmem>>
    %dma_wait3A_158 = arith.constant 0 : i32
    %dma_wait3A_159 = tpu.memref_slice %arg5[%dma_wait3A_153, %dma_wait3A_158] : memref<80x128xi32, #tpu.memory_space<vmem>> -> memref<1x128xi32, #tpu.memory_space<vmem>>
    %dma_wait3A_160 = tpu.memref_squeeze %dma_wait3A_159 : memref<1x128xi32, #tpu.memory_space<vmem>> -> memref<128xi32, #tpu.memory_space<vmem>>
    %dma_wait3A_161 = arith.constant 0 : i32
    %dma_wait3A_162 = arith.constant 0 : i32
    %dma_wait3A_163 = tpu.memref_slice %arg7[%dma_wait3A_161, %dma_wait3A_162] : memref<10240x24xf32, #tpu.memory_space<vmem_shared>> -> memref<10240x24xf32, #tpu.memory_space<vmem_shared>>
    tpu.wait_indirect_dma semaphore(%arg9 : memref<!tpu.dma_semaphore, #tpu.memory_space<semaphore_mem>>) src(%dma_wait3A_157 : memref<128x24xf32, #tpu.memory_space<vmem>>) dst(%dma_wait3A_163 : memref<10240x24xf32, #tpu.memory_space<vmem_shared>>)
    %dma_wait3A_164 = arith.constant 0 : i32
    %dma_wait3A_165 = arith.constant 0 : i32
    %dma_wait3A_166 = arith.constant 0 : i32
    %dma_wait3A_167 = arith.constant 0 : i32
    %dma_wait3A_168 = tpu.memref_slice %arg6[%dma_wait3A_164, %dma_wait3A_166, %dma_wait3A_167] : memref<6x128x24xf32, #tpu.memory_space<vmem>> -> memref<1x128x24xf32, #tpu.memory_space<vmem>>
    %dma_wait3A_169 = tpu.memref_squeeze %dma_wait3A_168 : memref<1x128x24xf32, #tpu.memory_space<vmem>> -> memref<128x24xf32, #tpu.memory_space<vmem>>
    %dma_wait3A_170 = arith.constant 0 : i32
    %dma_wait3A_171 = tpu.memref_slice %arg5[%dma_wait3A_165, %dma_wait3A_170] : memref<80x128xi32, #tpu.memory_space<vmem>> -> memref<1x128xi32, #tpu.memory_space<vmem>>
    %dma_wait3A_172 = tpu.memref_squeeze %dma_wait3A_171 : memref<1x128xi32, #tpu.memory_space<vmem>> -> memref<128xi32, #tpu.memory_space<vmem>>
    %dma_wait3A_173 = arith.constant 0 : i32
    %dma_wait3A_174 = arith.constant 0 : i32
    %dma_wait3A_175 = tpu.memref_slice %arg7[%dma_wait3A_173, %dma_wait3A_174] : memref<10240x24xf32, #tpu.memory_space<vmem_shared>> -> memref<10240x24xf32, #tpu.memory_space<vmem_shared>>
    tpu.wait_indirect_dma semaphore(%arg9 : memref<!tpu.dma_semaphore, #tpu.memory_space<semaphore_mem>>) src(%dma_wait3A_169 : memref<128x24xf32, #tpu.memory_space<vmem>>) dst(%dma_wait3A_175 : memref<10240x24xf32, #tpu.memory_space<vmem_shared>>)
    %barrier3A_176 = arith.constant 0 : index
    tpu.barrier barrier_id(%barrier3A_176)
    %mul3A_177 = arith.constant 640 : i32
    %mul3A_178 = arith.muli %arg1, %mul3A_177 : i32
    %mul3A_179 = arith.constant 640 : i32
    %mul3A_180 = arith.muli %arg1, %mul3A_179 : i32
    "tpu.region"() ({
      %run_scoped3A_181 = tpu.sem_alloc : memref<!tpu.dma_semaphore, #tpu.memory_space<semaphore_mem>>
      %dma_start3A_182 = arith.constant 0 : i32
      %dma_start3A_183 = arith.constant 0 : i32
      %dma_start3A_184 = tpu.memref_slice %arg4[%arg0, %dma_start3A_182, %dma_start3A_183] : memref<2x10240x24xf32, #tpu.memory_space<hbm>> -> memref<1x10240x24xf32, #tpu.memory_space<hbm>>
      %dma_start3A_185 = tpu.memref_squeeze %dma_start3A_184 : memref<1x10240x24xf32, #tpu.memory_space<hbm>> -> memref<10240x24xf32, #tpu.memory_space<hbm>>
      %dma_start3A_186 = arith.constant 0 : i32
      %dma_start3A_187 = tpu.memref_slice %dma_start3A_185[%mul3A_180, %dma_start3A_186] : memref<10240x24xf32, #tpu.memory_space<hbm>> -> memref<640x24xf32, #tpu.memory_space<hbm>>
      %dma_start3A_188 = arith.constant 0 : i32
      %dma_start3A_189 = tpu.memref_slice %arg7[%mul3A_178, %dma_start3A_188] : memref<10240x24xf32, #tpu.memory_space<vmem_shared>> -> memref<640x24xf32, #tpu.memory_space<vmem_shared>>
      tpu.enqueue_dma source(%dma_start3A_189 : memref<640x24xf32, #tpu.memory_space<vmem_shared>>) target(%dma_start3A_187 : memref<640x24xf32, #tpu.memory_space<hbm>>) target_semaphore(%run_scoped3A_181 : memref<!tpu.dma_semaphore, #tpu.memory_space<semaphore_mem>>)
      %dma_wait3A_190 = arith.constant 0 : i32
      %dma_wait3A_191 = arith.constant 0 : i32
      %dma_wait3A_192 = tpu.memref_slice %arg4[%arg0, %dma_wait3A_190, %dma_wait3A_191] : memref<2x10240x24xf32, #tpu.memory_space<hbm>> -> memref<1x10240x24xf32, #tpu.memory_space<hbm>>
      %dma_wait3A_193 = tpu.memref_squeeze %dma_wait3A_192 : memref<1x10240x24xf32, #tpu.memory_space<hbm>> -> memref<10240x24xf32, #tpu.memory_space<hbm>>
      %dma_wait3A_194 = arith.constant 0 : i32
      %dma_wait3A_195 = tpu.memref_slice %dma_wait3A_193[%mul3A_180, %dma_wait3A_194] : memref<10240x24xf32, #tpu.memory_space<hbm>> -> memref<640x24xf32, #tpu.memory_space<hbm>>
      %dma_wait3A_196 = arith.constant 0 : i32
      %dma_wait3A_197 = tpu.memref_slice %arg7[%mul3A_178, %dma_wait3A_196] : memref<10240x24xf32, #tpu.memory_space<vmem_shared>> -> memref<640x24xf32, #tpu.memory_space<vmem_shared>>
      tpu.wait_dma2 semaphore(%run_scoped3A_181 : memref<!tpu.dma_semaphore, #tpu.memory_space<semaphore_mem>>) src(%dma_wait3A_197 : memref<640x24xf32, #tpu.memory_space<vmem_shared>>) dst(%dma_wait3A_195 : memref<640x24xf32, #tpu.memory_space<hbm>>)
      tpu.yield
    }) : () -> ()
    return
  }
}

#map = affine_map<(d0, d1) -> (0, 0, 0)>
#map1 = affine_map<(d0, d1) -> (0, 0)>
module attributes {stable_mosaic.version = 14 : i64} {
  func.func @sc_node_pool(%arg0: i32, %arg1: i32, %arg2: memref<2x10240x64xf32, #tpu.memory_space<hbm>>, %arg3: memref<2560x128xi32, #tpu.memory_space<hbm>>, %arg4: memref<2560x128xi32, #tpu.memory_space<hbm>>, %arg5: memref<2x10240x64xf32, #tpu.memory_space<hbm>>, %arg6: memref<160x128xi32, #tpu.memory_space<vmem>>, %arg7: memref<160x128xi32, #tpu.memory_space<vmem>>, %arg8: memref<6x128x64xf32, #tpu.memory_space<vmem>>, %arg9: memref<10240x64xf32, #tpu.memory_space<vmem_shared>>, %arg10: memref<!tpu.dma_semaphore, #tpu.memory_space<semaphore_mem>>, %arg11: memref<!tpu.dma_semaphore, #tpu.memory_space<semaphore_mem>>) attributes {dimension_semantics = [#tpu.dimension_semantics<core_parallel>, #tpu.dimension_semantics<subcore_parallel>], iteration_bounds = array<i64: 2, 16>, scalar_prefetch = 0 : i64, scratch_operands = 6 : i64, tpu.core_type = #tpu.core_type<sc_vector_subcore>, window_params = [{transform_indices = #map}, {transform_indices = #map1}, {transform_indices = #map1}, {transform_indices = #map}]} {
    %broadcast_in_dim3A = arith.constant 0.000000e+00 : f32
    %broadcast_in_dim3A_0 = vector.broadcast %broadcast_in_dim3A : f32 to vector<16xf32>
    %scan3A = arith.constant 0 : i32
    %scan3A_1 = arith.constant 0 : i32
    %scan3A_2 = arith.constant 128 : i32
    %scan3A_3 = arith.addi %scan3A_1, %scan3A_2 : i32
    %scan3A_4 = arith.constant 1 : i32
    scf.for %scan3A_174 = %scan3A_1 to %scan3A_3 step %scan3A_4  : i32 {
      %mul3A_175 = arith.constant 1 : i32
      %mul3A_176 = arith.muli %scan3A_174, %mul3A_175 : i32
      %add3A_177 = arith.constant 0 : i32
      %add3A_178 = arith.addi %add3A_177, %mul3A_176 : i32
      %swap3A = arith.constant 0 : i32
      %swap3A_179 = arith.constant 0 : i32
      %swap3A_180 = tpu.memref_slice %arg8[%scan3A, %swap3A, %swap3A_179] : memref<6x128x64xf32, #tpu.memory_space<vmem>> -> memref<1x128x64xf32, #tpu.memory_space<vmem>>
      %swap3A_181 = tpu.memref_squeeze %swap3A_180 : memref<1x128x64xf32, #tpu.memory_space<vmem>> -> memref<128x64xf32, #tpu.memory_space<vmem>>
      %swap3A_182 = arith.index_cast %add3A_178 : i32 to index
      %swap3A_183 = arith.constant 0 : index
      %swap3A_184 = tpu.vector_load %swap3A_181[%swap3A_182, %swap3A_183] {strides = array<i32>} : memref<128x64xf32, #tpu.memory_space<vmem>>, vector<1x16xf32>,
      %swap3A_185 = vector.shape_cast %swap3A_184 : vector<1x16xf32> to vector<16xf32>
      %swap3A_186 = vector.shape_cast %broadcast_in_dim3A_0 : vector<16xf32> to vector<1x16xf32>
      tpu.vector_store %swap3A_181[%swap3A_182, %swap3A_183], %swap3A_186 {strides = array<i32>} : memref<128x64xf32, #tpu.memory_space<vmem>>, vector<1x16xf32>,
      %swap3A_187 = arith.constant 0 : i32
      %swap3A_188 = arith.constant 0 : i32
      %swap3A_189 = tpu.memref_slice %arg8[%scan3A, %swap3A_187, %swap3A_188] : memref<6x128x64xf32, #tpu.memory_space<vmem>> -> memref<1x128x64xf32, #tpu.memory_space<vmem>>
      %swap3A_190 = tpu.memref_squeeze %swap3A_189 : memref<1x128x64xf32, #tpu.memory_space<vmem>> -> memref<128x64xf32, #tpu.memory_space<vmem>>
      %swap3A_191 = arith.index_cast %add3A_178 : i32 to index
      %swap3A_192 = arith.constant 16 : index
      %swap3A_193 = tpu.vector_load %swap3A_190[%swap3A_191, %swap3A_192] {strides = array<i32>} : memref<128x64xf32, #tpu.memory_space<vmem>>, vector<1x16xf32>,
      %swap3A_194 = vector.shape_cast %swap3A_193 : vector<1x16xf32> to vector<16xf32>
      %swap3A_195 = vector.shape_cast %broadcast_in_dim3A_0 : vector<16xf32> to vector<1x16xf32>
      tpu.vector_store %swap3A_190[%swap3A_191, %swap3A_192], %swap3A_195 {strides = array<i32>} : memref<128x64xf32, #tpu.memory_space<vmem>>, vector<1x16xf32>,
      %swap3A_196 = arith.constant 0 : i32
      %swap3A_197 = arith.constant 0 : i32
      %swap3A_198 = tpu.memref_slice %arg8[%scan3A, %swap3A_196, %swap3A_197] : memref<6x128x64xf32, #tpu.memory_space<vmem>> -> memref<1x128x64xf32, #tpu.memory_space<vmem>>
      %swap3A_199 = tpu.memref_squeeze %swap3A_198 : memref<1x128x64xf32, #tpu.memory_space<vmem>> -> memref<128x64xf32, #tpu.memory_space<vmem>>
      %swap3A_200 = arith.index_cast %add3A_178 : i32 to index
      %swap3A_201 = arith.constant 32 : index
      %swap3A_202 = tpu.vector_load %swap3A_199[%swap3A_200, %swap3A_201] {strides = array<i32>} : memref<128x64xf32, #tpu.memory_space<vmem>>, vector<1x16xf32>,
      %swap3A_203 = vector.shape_cast %swap3A_202 : vector<1x16xf32> to vector<16xf32>
      %swap3A_204 = vector.shape_cast %broadcast_in_dim3A_0 : vector<16xf32> to vector<1x16xf32>
      tpu.vector_store %swap3A_199[%swap3A_200, %swap3A_201], %swap3A_204 {strides = array<i32>} : memref<128x64xf32, #tpu.memory_space<vmem>>, vector<1x16xf32>,
      %swap3A_205 = arith.constant 0 : i32
      %swap3A_206 = arith.constant 0 : i32
      %swap3A_207 = tpu.memref_slice %arg8[%scan3A, %swap3A_205, %swap3A_206] : memref<6x128x64xf32, #tpu.memory_space<vmem>> -> memref<1x128x64xf32, #tpu.memory_space<vmem>>
      %swap3A_208 = tpu.memref_squeeze %swap3A_207 : memref<1x128x64xf32, #tpu.memory_space<vmem>> -> memref<128x64xf32, #tpu.memory_space<vmem>>
      %swap3A_209 = arith.index_cast %add3A_178 : i32 to index
      %swap3A_210 = arith.constant 48 : index
      %swap3A_211 = tpu.vector_load %swap3A_208[%swap3A_209, %swap3A_210] {strides = array<i32>} : memref<128x64xf32, #tpu.memory_space<vmem>>, vector<1x16xf32>,
      %swap3A_212 = vector.shape_cast %swap3A_211 : vector<1x16xf32> to vector<16xf32>
      %swap3A_213 = vector.shape_cast %broadcast_in_dim3A_0 : vector<16xf32> to vector<1x16xf32>
      tpu.vector_store %swap3A_208[%swap3A_209, %swap3A_210], %swap3A_213 {strides = array<i32>} : memref<128x64xf32, #tpu.memory_space<vmem>>, vector<1x16xf32>,
    }
    %scan3A_5 = arith.constant 128 : i32
    %mul3A = arith.constant 640 : i32
    %mul3A_6 = arith.muli %arg1, %mul3A : i32
    %add3A = arith.constant 0 : i32
    %add3A_7 = arith.addi %mul3A_6, %add3A : i32
    %run_scoped3A = arith.constant 0 : i32
    "tpu.region"() ({
      %run_scoped3A_174 = tpu.sem_alloc : memref<!tpu.dma_semaphore, #tpu.memory_space<semaphore_mem>>
      %dma_start3A_175 = arith.constant 0 : i32
      %dma_start3A_176 = arith.constant 0 : i32
      %dma_start3A_177 = tpu.memref_slice %arg8[%run_scoped3A, %dma_start3A_175, %dma_start3A_176] : memref<6x128x64xf32, #tpu.memory_space<vmem>> -> memref<1x128x64xf32, #tpu.memory_space<vmem>>
      %dma_start3A_178 = tpu.memref_squeeze %dma_start3A_177 : memref<1x128x64xf32, #tpu.memory_space<vmem>> -> memref<128x64xf32, #tpu.memory_space<vmem>>
      %dma_start3A_179 = arith.constant 0 : i32
      %dma_start3A_180 = tpu.memref_slice %arg9[%add3A_7, %dma_start3A_179] : memref<10240x64xf32, #tpu.memory_space<vmem_shared>> -> memref<128x64xf32, #tpu.memory_space<vmem_shared>>
      %dma_start3A_181 = arith.constant 0 : i32
      %dma_start3A_182 = tpu.memref_slice %arg9[%add3A_7, %dma_start3A_181] : memref<10240x64xf32, #tpu.memory_space<vmem_shared>> -> memref<128x64xf32, #tpu.memory_space<vmem_shared>>
      %dma_start3A_183 = arith.constant 0 : i32
      %dma_start3A_184 = arith.constant 0 : i32
      %dma_start3A_185 = tpu.memref_slice %arg8[%run_scoped3A, %dma_start3A_183, %dma_start3A_184] : memref<6x128x64xf32, #tpu.memory_space<vmem>> -> memref<1x128x64xf32, #tpu.memory_space<vmem>>
      %dma_start3A_186 = tpu.memref_squeeze %dma_start3A_185 : memref<1x128x64xf32, #tpu.memory_space<vmem>> -> memref<128x64xf32, #tpu.memory_space<vmem>>
      tpu.enqueue_dma source(%dma_start3A_186 : memref<128x64xf32, #tpu.memory_space<vmem>>) target(%dma_start3A_182 : memref<128x64xf32, #tpu.memory_space<vmem_shared>>) target_semaphore(%run_scoped3A_174 : memref<!tpu.dma_semaphore, #tpu.memory_space<semaphore_mem>>)
      %dma_wait3A_187 = arith.constant 0 : i32
      %dma_wait3A_188 = arith.constant 0 : i32
      %dma_wait3A_189 = tpu.memref_slice %arg8[%run_scoped3A, %dma_wait3A_187, %dma_wait3A_188] : memref<6x128x64xf32, #tpu.memory_space<vmem>> -> memref<1x128x64xf32, #tpu.memory_space<vmem>>
      %dma_wait3A_190 = tpu.memref_squeeze %dma_wait3A_189 : memref<1x128x64xf32, #tpu.memory_space<vmem>> -> memref<128x64xf32, #tpu.memory_space<vmem>>
      %dma_wait3A_191 = arith.constant 0 : i32
      %dma_wait3A_192 = tpu.memref_slice %arg9[%add3A_7, %dma_wait3A_191] : memref<10240x64xf32, #tpu.memory_space<vmem_shared>> -> memref<128x64xf32, #tpu.memory_space<vmem_shared>>
      %dma_wait3A_193 = arith.constant 0 : i32
      %dma_wait3A_194 = tpu.memref_slice %arg9[%add3A_7, %dma_wait3A_193] : memref<10240x64xf32, #tpu.memory_space<vmem_shared>> -> memref<128x64xf32, #tpu.memory_space<vmem_shared>>
      %dma_wait3A_195 = arith.constant 0 : i32
      %dma_wait3A_196 = arith.constant 0 : i32
      %dma_wait3A_197 = tpu.memref_slice %arg8[%run_scoped3A, %dma_wait3A_195, %dma_wait3A_196] : memref<6x128x64xf32, #tpu.memory_space<vmem>> -> memref<1x128x64xf32, #tpu.memory_space<vmem>>
      %dma_wait3A_198 = tpu.memref_squeeze %dma_wait3A_197 : memref<1x128x64xf32, #tpu.memory_space<vmem>> -> memref<128x64xf32, #tpu.memory_space<vmem>>
      tpu.wait_dma2 semaphore(%run_scoped3A_174 : memref<!tpu.dma_semaphore, #tpu.memory_space<semaphore_mem>>) src(%dma_wait3A_198 : memref<128x64xf32, #tpu.memory_space<vmem>>) dst(%dma_wait3A_194 : memref<128x64xf32, #tpu.memory_space<vmem_shared>>)
      tpu.yield
    }) : () -> ()
    %mul3A_8 = arith.constant 640 : i32
    %mul3A_9 = arith.muli %arg1, %mul3A_8 : i32
    %add3A_10 = arith.constant 128 : i32
    %add3A_11 = arith.addi %mul3A_9, %add3A_10 : i32
    %run_scoped3A_12 = arith.constant 0 : i32
    "tpu.region"() ({
      %run_scoped3A_174 = tpu.sem_alloc : memref<!tpu.dma_semaphore, #tpu.memory_space<semaphore_mem>>
      %dma_start3A_175 = arith.constant 0 : i32
      %dma_start3A_176 = arith.constant 0 : i32
      %dma_start3A_177 = tpu.memref_slice %arg8[%run_scoped3A_12, %dma_start3A_175, %dma_start3A_176] : memref<6x128x64xf32, #tpu.memory_space<vmem>> -> memref<1x128x64xf32, #tpu.memory_space<vmem>>
      %dma_start3A_178 = tpu.memref_squeeze %dma_start3A_177 : memref<1x128x64xf32, #tpu.memory_space<vmem>> -> memref<128x64xf32, #tpu.memory_space<vmem>>
      %dma_start3A_179 = arith.constant 0 : i32
      %dma_start3A_180 = tpu.memref_slice %arg9[%add3A_11, %dma_start3A_179] : memref<10240x64xf32, #tpu.memory_space<vmem_shared>> -> memref<128x64xf32, #tpu.memory_space<vmem_shared>>
      %dma_start3A_181 = arith.constant 0 : i32
      %dma_start3A_182 = tpu.memref_slice %arg9[%add3A_11, %dma_start3A_181] : memref<10240x64xf32, #tpu.memory_space<vmem_shared>> -> memref<128x64xf32, #tpu.memory_space<vmem_shared>>
      %dma_start3A_183 = arith.constant 0 : i32
      %dma_start3A_184 = arith.constant 0 : i32
      %dma_start3A_185 = tpu.memref_slice %arg8[%run_scoped3A_12, %dma_start3A_183, %dma_start3A_184] : memref<6x128x64xf32, #tpu.memory_space<vmem>> -> memref<1x128x64xf32, #tpu.memory_space<vmem>>
      %dma_start3A_186 = tpu.memref_squeeze %dma_start3A_185 : memref<1x128x64xf32, #tpu.memory_space<vmem>> -> memref<128x64xf32, #tpu.memory_space<vmem>>
      tpu.enqueue_dma source(%dma_start3A_186 : memref<128x64xf32, #tpu.memory_space<vmem>>) target(%dma_start3A_182 : memref<128x64xf32, #tpu.memory_space<vmem_shared>>) target_semaphore(%run_scoped3A_174 : memref<!tpu.dma_semaphore, #tpu.memory_space<semaphore_mem>>)
      %dma_wait3A_187 = arith.constant 0 : i32
      %dma_wait3A_188 = arith.constant 0 : i32
      %dma_wait3A_189 = tpu.memref_slice %arg8[%run_scoped3A_12, %dma_wait3A_187, %dma_wait3A_188] : memref<6x128x64xf32, #tpu.memory_space<vmem>> -> memref<1x128x64xf32, #tpu.memory_space<vmem>>
      %dma_wait3A_190 = tpu.memref_squeeze %dma_wait3A_189 : memref<1x128x64xf32, #tpu.memory_space<vmem>> -> memref<128x64xf32, #tpu.memory_space<vmem>>
      %dma_wait3A_191 = arith.constant 0 : i32
      %dma_wait3A_192 = tpu.memref_slice %arg9[%add3A_11, %dma_wait3A_191] : memref<10240x64xf32, #tpu.memory_space<vmem_shared>> -> memref<128x64xf32, #tpu.memory_space<vmem_shared>>
      %dma_wait3A_193 = arith.constant 0 : i32
      %dma_wait3A_194 = tpu.memref_slice %arg9[%add3A_11, %dma_wait3A_193] : memref<10240x64xf32, #tpu.memory_space<vmem_shared>> -> memref<128x64xf32, #tpu.memory_space<vmem_shared>>
      %dma_wait3A_195 = arith.constant 0 : i32
      %dma_wait3A_196 = arith.constant 0 : i32
      %dma_wait3A_197 = tpu.memref_slice %arg8[%run_scoped3A_12, %dma_wait3A_195, %dma_wait3A_196] : memref<6x128x64xf32, #tpu.memory_space<vmem>> -> memref<1x128x64xf32, #tpu.memory_space<vmem>>
      %dma_wait3A_198 = tpu.memref_squeeze %dma_wait3A_197 : memref<1x128x64xf32, #tpu.memory_space<vmem>> -> memref<128x64xf32, #tpu.memory_space<vmem>>
      tpu.wait_dma2 semaphore(%run_scoped3A_174 : memref<!tpu.dma_semaphore, #tpu.memory_space<semaphore_mem>>) src(%dma_wait3A_198 : memref<128x64xf32, #tpu.memory_space<vmem>>) dst(%dma_wait3A_194 : memref<128x64xf32, #tpu.memory_space<vmem_shared>>)
      tpu.yield
    }) : () -> ()
    %mul3A_13 = arith.constant 640 : i32
    %mul3A_14 = arith.muli %arg1, %mul3A_13 : i32
    %add3A_15 = arith.constant 256 : i32
    %add3A_16 = arith.addi %mul3A_14, %add3A_15 : i32
    %run_scoped3A_17 = arith.constant 0 : i32
    "tpu.region"() ({
      %run_scoped3A_174 = tpu.sem_alloc : memref<!tpu.dma_semaphore, #tpu.memory_space<semaphore_mem>>
      %dma_start3A_175 = arith.constant 0 : i32
      %dma_start3A_176 = arith.constant 0 : i32
      %dma_start3A_177 = tpu.memref_slice %arg8[%run_scoped3A_17, %dma_start3A_175, %dma_start3A_176] : memref<6x128x64xf32, #tpu.memory_space<vmem>> -> memref<1x128x64xf32, #tpu.memory_space<vmem>>
      %dma_start3A_178 = tpu.memref_squeeze %dma_start3A_177 : memref<1x128x64xf32, #tpu.memory_space<vmem>> -> memref<128x64xf32, #tpu.memory_space<vmem>>
      %dma_start3A_179 = arith.constant 0 : i32
      %dma_start3A_180 = tpu.memref_slice %arg9[%add3A_16, %dma_start3A_179] : memref<10240x64xf32, #tpu.memory_space<vmem_shared>> -> memref<128x64xf32, #tpu.memory_space<vmem_shared>>
      %dma_start3A_181 = arith.constant 0 : i32
      %dma_start3A_182 = tpu.memref_slice %arg9[%add3A_16, %dma_start3A_181] : memref<10240x64xf32, #tpu.memory_space<vmem_shared>> -> memref<128x64xf32, #tpu.memory_space<vmem_shared>>
      %dma_start3A_183 = arith.constant 0 : i32
      %dma_start3A_184 = arith.constant 0 : i32
      %dma_start3A_185 = tpu.memref_slice %arg8[%run_scoped3A_17, %dma_start3A_183, %dma_start3A_184] : memref<6x128x64xf32, #tpu.memory_space<vmem>> -> memref<1x128x64xf32, #tpu.memory_space<vmem>>
      %dma_start3A_186 = tpu.memref_squeeze %dma_start3A_185 : memref<1x128x64xf32, #tpu.memory_space<vmem>> -> memref<128x64xf32, #tpu.memory_space<vmem>>
      tpu.enqueue_dma source(%dma_start3A_186 : memref<128x64xf32, #tpu.memory_space<vmem>>) target(%dma_start3A_182 : memref<128x64xf32, #tpu.memory_space<vmem_shared>>) target_semaphore(%run_scoped3A_174 : memref<!tpu.dma_semaphore, #tpu.memory_space<semaphore_mem>>)
      %dma_wait3A_187 = arith.constant 0 : i32
      %dma_wait3A_188 = arith.constant 0 : i32
      %dma_wait3A_189 = tpu.memref_slice %arg8[%run_scoped3A_17, %dma_wait3A_187, %dma_wait3A_188] : memref<6x128x64xf32, #tpu.memory_space<vmem>> -> memref<1x128x64xf32, #tpu.memory_space<vmem>>
      %dma_wait3A_190 = tpu.memref_squeeze %dma_wait3A_189 : memref<1x128x64xf32, #tpu.memory_space<vmem>> -> memref<128x64xf32, #tpu.memory_space<vmem>>
      %dma_wait3A_191 = arith.constant 0 : i32
      %dma_wait3A_192 = tpu.memref_slice %arg9[%add3A_16, %dma_wait3A_191] : memref<10240x64xf32, #tpu.memory_space<vmem_shared>> -> memref<128x64xf32, #tpu.memory_space<vmem_shared>>
      %dma_wait3A_193 = arith.constant 0 : i32
      %dma_wait3A_194 = tpu.memref_slice %arg9[%add3A_16, %dma_wait3A_193] : memref<10240x64xf32, #tpu.memory_space<vmem_shared>> -> memref<128x64xf32, #tpu.memory_space<vmem_shared>>
      %dma_wait3A_195 = arith.constant 0 : i32
      %dma_wait3A_196 = arith.constant 0 : i32
      %dma_wait3A_197 = tpu.memref_slice %arg8[%run_scoped3A_17, %dma_wait3A_195, %dma_wait3A_196] : memref<6x128x64xf32, #tpu.memory_space<vmem>> -> memref<1x128x64xf32, #tpu.memory_space<vmem>>
      %dma_wait3A_198 = tpu.memref_squeeze %dma_wait3A_197 : memref<1x128x64xf32, #tpu.memory_space<vmem>> -> memref<128x64xf32, #tpu.memory_space<vmem>>
      tpu.wait_dma2 semaphore(%run_scoped3A_174 : memref<!tpu.dma_semaphore, #tpu.memory_space<semaphore_mem>>) src(%dma_wait3A_198 : memref<128x64xf32, #tpu.memory_space<vmem>>) dst(%dma_wait3A_194 : memref<128x64xf32, #tpu.memory_space<vmem_shared>>)
      tpu.yield
    }) : () -> ()
    %mul3A_18 = arith.constant 640 : i32
    %mul3A_19 = arith.muli %arg1, %mul3A_18 : i32
    %add3A_20 = arith.constant 384 : i32
    %add3A_21 = arith.addi %mul3A_19, %add3A_20 : i32
    %run_scoped3A_22 = arith.constant 0 : i32
    "tpu.region"() ({
      %run_scoped3A_174 = tpu.sem_alloc : memref<!tpu.dma_semaphore, #tpu.memory_space<semaphore_mem>>
      %dma_start3A_175 = arith.constant 0 : i32
      %dma_start3A_176 = arith.constant 0 : i32
      %dma_start3A_177 = tpu.memref_slice %arg8[%run_scoped3A_22, %dma_start3A_175, %dma_start3A_176] : memref<6x128x64xf32, #tpu.memory_space<vmem>> -> memref<1x128x64xf32, #tpu.memory_space<vmem>>
      %dma_start3A_178 = tpu.memref_squeeze %dma_start3A_177 : memref<1x128x64xf32, #tpu.memory_space<vmem>> -> memref<128x64xf32, #tpu.memory_space<vmem>>
      %dma_start3A_179 = arith.constant 0 : i32
      %dma_start3A_180 = tpu.memref_slice %arg9[%add3A_21, %dma_start3A_179] : memref<10240x64xf32, #tpu.memory_space<vmem_shared>> -> memref<128x64xf32, #tpu.memory_space<vmem_shared>>
      %dma_start3A_181 = arith.constant 0 : i32
      %dma_start3A_182 = tpu.memref_slice %arg9[%add3A_21, %dma_start3A_181] : memref<10240x64xf32, #tpu.memory_space<vmem_shared>> -> memref<128x64xf32, #tpu.memory_space<vmem_shared>>
      %dma_start3A_183 = arith.constant 0 : i32
      %dma_start3A_184 = arith.constant 0 : i32
      %dma_start3A_185 = tpu.memref_slice %arg8[%run_scoped3A_22, %dma_start3A_183, %dma_start3A_184] : memref<6x128x64xf32, #tpu.memory_space<vmem>> -> memref<1x128x64xf32, #tpu.memory_space<vmem>>
      %dma_start3A_186 = tpu.memref_squeeze %dma_start3A_185 : memref<1x128x64xf32, #tpu.memory_space<vmem>> -> memref<128x64xf32, #tpu.memory_space<vmem>>
      tpu.enqueue_dma source(%dma_start3A_186 : memref<128x64xf32, #tpu.memory_space<vmem>>) target(%dma_start3A_182 : memref<128x64xf32, #tpu.memory_space<vmem_shared>>) target_semaphore(%run_scoped3A_174 : memref<!tpu.dma_semaphore, #tpu.memory_space<semaphore_mem>>)
      %dma_wait3A_187 = arith.constant 0 : i32
      %dma_wait3A_188 = arith.constant 0 : i32
      %dma_wait3A_189 = tpu.memref_slice %arg8[%run_scoped3A_22, %dma_wait3A_187, %dma_wait3A_188] : memref<6x128x64xf32, #tpu.memory_space<vmem>> -> memref<1x128x64xf32, #tpu.memory_space<vmem>>
      %dma_wait3A_190 = tpu.memref_squeeze %dma_wait3A_189 : memref<1x128x64xf32, #tpu.memory_space<vmem>> -> memref<128x64xf32, #tpu.memory_space<vmem>>
      %dma_wait3A_191 = arith.constant 0 : i32
      %dma_wait3A_192 = tpu.memref_slice %arg9[%add3A_21, %dma_wait3A_191] : memref<10240x64xf32, #tpu.memory_space<vmem_shared>> -> memref<128x64xf32, #tpu.memory_space<vmem_shared>>
      %dma_wait3A_193 = arith.constant 0 : i32
      %dma_wait3A_194 = tpu.memref_slice %arg9[%add3A_21, %dma_wait3A_193] : memref<10240x64xf32, #tpu.memory_space<vmem_shared>> -> memref<128x64xf32, #tpu.memory_space<vmem_shared>>
      %dma_wait3A_195 = arith.constant 0 : i32
      %dma_wait3A_196 = arith.constant 0 : i32
      %dma_wait3A_197 = tpu.memref_slice %arg8[%run_scoped3A_22, %dma_wait3A_195, %dma_wait3A_196] : memref<6x128x64xf32, #tpu.memory_space<vmem>> -> memref<1x128x64xf32, #tpu.memory_space<vmem>>
      %dma_wait3A_198 = tpu.memref_squeeze %dma_wait3A_197 : memref<1x128x64xf32, #tpu.memory_space<vmem>> -> memref<128x64xf32, #tpu.memory_space<vmem>>
      tpu.wait_dma2 semaphore(%run_scoped3A_174 : memref<!tpu.dma_semaphore, #tpu.memory_space<semaphore_mem>>) src(%dma_wait3A_198 : memref<128x64xf32, #tpu.memory_space<vmem>>) dst(%dma_wait3A_194 : memref<128x64xf32, #tpu.memory_space<vmem_shared>>)
      tpu.yield
    }) : () -> ()
    %mul3A_23 = arith.constant 640 : i32
    %mul3A_24 = arith.muli %arg1, %mul3A_23 : i32
    %add3A_25 = arith.constant 512 : i32
    %add3A_26 = arith.addi %mul3A_24, %add3A_25 : i32
    %run_scoped3A_27 = arith.constant 0 : i32
    "tpu.region"() ({
      %run_scoped3A_174 = tpu.sem_alloc : memref<!tpu.dma_semaphore, #tpu.memory_space<semaphore_mem>>
      %dma_start3A_175 = arith.constant 0 : i32
      %dma_start3A_176 = arith.constant 0 : i32
      %dma_start3A_177 = tpu.memref_slice %arg8[%run_scoped3A_27, %dma_start3A_175, %dma_start3A_176] : memref<6x128x64xf32, #tpu.memory_space<vmem>> -> memref<1x128x64xf32, #tpu.memory_space<vmem>>
      %dma_start3A_178 = tpu.memref_squeeze %dma_start3A_177 : memref<1x128x64xf32, #tpu.memory_space<vmem>> -> memref<128x64xf32, #tpu.memory_space<vmem>>
      %dma_start3A_179 = arith.constant 0 : i32
      %dma_start3A_180 = tpu.memref_slice %arg9[%add3A_26, %dma_start3A_179] : memref<10240x64xf32, #tpu.memory_space<vmem_shared>> -> memref<128x64xf32, #tpu.memory_space<vmem_shared>>
      %dma_start3A_181 = arith.constant 0 : i32
      %dma_start3A_182 = tpu.memref_slice %arg9[%add3A_26, %dma_start3A_181] : memref<10240x64xf32, #tpu.memory_space<vmem_shared>> -> memref<128x64xf32, #tpu.memory_space<vmem_shared>>
      %dma_start3A_183 = arith.constant 0 : i32
      %dma_start3A_184 = arith.constant 0 : i32
      %dma_start3A_185 = tpu.memref_slice %arg8[%run_scoped3A_27, %dma_start3A_183, %dma_start3A_184] : memref<6x128x64xf32, #tpu.memory_space<vmem>> -> memref<1x128x64xf32, #tpu.memory_space<vmem>>
      %dma_start3A_186 = tpu.memref_squeeze %dma_start3A_185 : memref<1x128x64xf32, #tpu.memory_space<vmem>> -> memref<128x64xf32, #tpu.memory_space<vmem>>
      tpu.enqueue_dma source(%dma_start3A_186 : memref<128x64xf32, #tpu.memory_space<vmem>>) target(%dma_start3A_182 : memref<128x64xf32, #tpu.memory_space<vmem_shared>>) target_semaphore(%run_scoped3A_174 : memref<!tpu.dma_semaphore, #tpu.memory_space<semaphore_mem>>)
      %dma_wait3A_187 = arith.constant 0 : i32
      %dma_wait3A_188 = arith.constant 0 : i32
      %dma_wait3A_189 = tpu.memref_slice %arg8[%run_scoped3A_27, %dma_wait3A_187, %dma_wait3A_188] : memref<6x128x64xf32, #tpu.memory_space<vmem>> -> memref<1x128x64xf32, #tpu.memory_space<vmem>>
      %dma_wait3A_190 = tpu.memref_squeeze %dma_wait3A_189 : memref<1x128x64xf32, #tpu.memory_space<vmem>> -> memref<128x64xf32, #tpu.memory_space<vmem>>
      %dma_wait3A_191 = arith.constant 0 : i32
      %dma_wait3A_192 = tpu.memref_slice %arg9[%add3A_26, %dma_wait3A_191] : memref<10240x64xf32, #tpu.memory_space<vmem_shared>> -> memref<128x64xf32, #tpu.memory_space<vmem_shared>>
      %dma_wait3A_193 = arith.constant 0 : i32
      %dma_wait3A_194 = tpu.memref_slice %arg9[%add3A_26, %dma_wait3A_193] : memref<10240x64xf32, #tpu.memory_space<vmem_shared>> -> memref<128x64xf32, #tpu.memory_space<vmem_shared>>
      %dma_wait3A_195 = arith.constant 0 : i32
      %dma_wait3A_196 = arith.constant 0 : i32
      %dma_wait3A_197 = tpu.memref_slice %arg8[%run_scoped3A_27, %dma_wait3A_195, %dma_wait3A_196] : memref<6x128x64xf32, #tpu.memory_space<vmem>> -> memref<1x128x64xf32, #tpu.memory_space<vmem>>
      %dma_wait3A_198 = tpu.memref_squeeze %dma_wait3A_197 : memref<1x128x64xf32, #tpu.memory_space<vmem>> -> memref<128x64xf32, #tpu.memory_space<vmem>>
      tpu.wait_dma2 semaphore(%run_scoped3A_174 : memref<!tpu.dma_semaphore, #tpu.memory_space<semaphore_mem>>) src(%dma_wait3A_198 : memref<128x64xf32, #tpu.memory_space<vmem>>) dst(%dma_wait3A_194 : memref<128x64xf32, #tpu.memory_space<vmem_shared>>)
      tpu.yield
    }) : () -> ()
    %barrier3A = arith.constant 0 : index
    tpu.barrier barrier_id(%barrier3A)
    %mul3A_28 = arith.constant 160 : i32
    %mul3A_29 = arith.muli %arg1, %mul3A_28 : i32
    "tpu.region"() ({
      %run_scoped3A_174 = tpu.sem_alloc : memref<!tpu.dma_semaphore, #tpu.memory_space<semaphore_mem>>
      %dma_start3A_175 = arith.constant 0 : i32
      %dma_start3A_176 = tpu.memref_slice %arg3[%mul3A_29, %dma_start3A_175] : memref<2560x128xi32, #tpu.memory_space<hbm>> -> memref<160x128xi32, #tpu.memory_space<hbm>>
      %dma_start3A_177 = arith.constant 0 : i32
      %dma_start3A_178 = tpu.memref_slice %arg3[%mul3A_29, %dma_start3A_177] : memref<2560x128xi32, #tpu.memory_space<hbm>> -> memref<160x128xi32, #tpu.memory_space<hbm>>
      tpu.enqueue_dma source(%dma_start3A_178 : memref<160x128xi32, #tpu.memory_space<hbm>>) target(%arg6 : memref<160x128xi32, #tpu.memory_space<vmem>>) target_semaphore(%run_scoped3A_174 : memref<!tpu.dma_semaphore, #tpu.memory_space<semaphore_mem>>)
      %dma_wait3A_179 = arith.constant 0 : i32
      %dma_wait3A_180 = tpu.memref_slice %arg3[%mul3A_29, %dma_wait3A_179] : memref<2560x128xi32, #tpu.memory_space<hbm>> -> memref<160x128xi32, #tpu.memory_space<hbm>>
      %dma_wait3A_181 = arith.constant 0 : i32
      %dma_wait3A_182 = tpu.memref_slice %arg3[%mul3A_29, %dma_wait3A_181] : memref<2560x128xi32, #tpu.memory_space<hbm>> -> memref<160x128xi32, #tpu.memory_space<hbm>>
      tpu.wait_dma2 semaphore(%run_scoped3A_174 : memref<!tpu.dma_semaphore, #tpu.memory_space<semaphore_mem>>) src(%dma_wait3A_182 : memref<160x128xi32, #tpu.memory_space<hbm>>) dst(%arg6 : memref<160x128xi32, #tpu.memory_space<vmem>>)
      tpu.yield
    }) : () -> ()
    "tpu.region"() ({
      %run_scoped3A_174 = tpu.sem_alloc : memref<!tpu.dma_semaphore, #tpu.memory_space<semaphore_mem>>
      %dma_start3A_175 = arith.constant 0 : i32
      %dma_start3A_176 = tpu.memref_slice %arg4[%mul3A_29, %dma_start3A_175] : memref<2560x128xi32, #tpu.memory_space<hbm>> -> memref<160x128xi32, #tpu.memory_space<hbm>>
      %dma_start3A_177 = arith.constant 0 : i32
      %dma_start3A_178 = tpu.memref_slice %arg4[%mul3A_29, %dma_start3A_177] : memref<2560x128xi32, #tpu.memory_space<hbm>> -> memref<160x128xi32, #tpu.memory_space<hbm>>
      tpu.enqueue_dma source(%dma_start3A_178 : memref<160x128xi32, #tpu.memory_space<hbm>>) target(%arg7 : memref<160x128xi32, #tpu.memory_space<vmem>>) target_semaphore(%run_scoped3A_174 : memref<!tpu.dma_semaphore, #tpu.memory_space<semaphore_mem>>)
      %dma_wait3A_179 = arith.constant 0 : i32
      %dma_wait3A_180 = tpu.memref_slice %arg4[%mul3A_29, %dma_wait3A_179] : memref<2560x128xi32, #tpu.memory_space<hbm>> -> memref<160x128xi32, #tpu.memory_space<hbm>>
      %dma_wait3A_181 = arith.constant 0 : i32
      %dma_wait3A_182 = tpu.memref_slice %arg4[%mul3A_29, %dma_wait3A_181] : memref<2560x128xi32, #tpu.memory_space<hbm>> -> memref<160x128xi32, #tpu.memory_space<hbm>>
      tpu.wait_dma2 semaphore(%run_scoped3A_174 : memref<!tpu.dma_semaphore, #tpu.memory_space<semaphore_mem>>) src(%dma_wait3A_182 : memref<160x128xi32, #tpu.memory_space<hbm>>) dst(%arg7 : memref<160x128xi32, #tpu.memory_space<vmem>>)
      tpu.yield
    }) : () -> ()
    %dma_start3A = arith.constant 0 : i32
    %dma_start3A_30 = arith.constant 0 : i32
    %dma_start3A_31 = arith.constant 0 : i32
    %dma_start3A_32 = arith.constant 0 : i32
    %dma_start3A_33 = tpu.memref_slice %arg8[%dma_start3A_30, %dma_start3A_31, %dma_start3A_32] : memref<6x128x64xf32, #tpu.memory_space<vmem>> -> memref<1x128x64xf32, #tpu.memory_space<vmem>>
    %dma_start3A_34 = tpu.memref_squeeze %dma_start3A_33 : memref<1x128x64xf32, #tpu.memory_space<vmem>> -> memref<128x64xf32, #tpu.memory_space<vmem>>
    %dma_start3A_35 = arith.constant 0 : i32
    %dma_start3A_36 = tpu.memref_slice %arg6[%dma_start3A, %dma_start3A_35] : memref<160x128xi32, #tpu.memory_space<vmem>> -> memref<1x128xi32, #tpu.memory_space<vmem>>
    %dma_start3A_37 = tpu.memref_squeeze %dma_start3A_36 : memref<1x128xi32, #tpu.memory_space<vmem>> -> memref<128xi32, #tpu.memory_space<vmem>>
    %dma_start3A_38 = arith.constant 0 : i32
    %dma_start3A_39 = arith.constant 0 : i32
    %dma_start3A_40 = tpu.memref_slice %arg2[%arg0, %dma_start3A_38, %dma_start3A_39] : memref<2x10240x64xf32, #tpu.memory_space<hbm>> -> memref<1x10240x64xf32, #tpu.memory_space<hbm>>
    %dma_start3A_41 = tpu.memref_squeeze %dma_start3A_40 : memref<1x10240x64xf32, #tpu.memory_space<hbm>> -> memref<10240x64xf32, #tpu.memory_space<hbm>>
    %dma_start3A_42 = arith.constant 0 : i32
    %dma_start3A_43 = arith.constant 0 : i32
    %dma_start3A_44 = tpu.memref_slice %dma_start3A_41[%dma_start3A_42, %dma_start3A_43] : memref<10240x64xf32, #tpu.memory_space<hbm>> -> memref<10240x64xf32, #tpu.memory_space<hbm>>
    tpu.enqueue_indirect_dma source(%dma_start3A_44 : memref<10240x64xf32, #tpu.memory_space<hbm>>) target(%dma_start3A_34 : memref<128x64xf32, #tpu.memory_space<vmem>>) offsets(%dma_start3A_37 : memref<128xi32, #tpu.memory_space<vmem>>) semaphore(%arg10 : memref<!tpu.dma_semaphore, #tpu.memory_space<semaphore_mem>>)
    %dma_start3A_45 = arith.constant 1 : i32
    %dma_start3A_46 = arith.constant 1 : i32
    %dma_start3A_47 = arith.constant 0 : i32
    %dma_start3A_48 = arith.constant 0 : i32
    %dma_start3A_49 = tpu.memref_slice %arg8[%dma_start3A_46, %dma_start3A_47, %dma_start3A_48] : memref<6x128x64xf32, #tpu.memory_space<vmem>> -> memref<1x128x64xf32, #tpu.memory_space<vmem>>
    %dma_start3A_50 = tpu.memref_squeeze %dma_start3A_49 : memref<1x128x64xf32, #tpu.memory_space<vmem>> -> memref<128x64xf32, #tpu.memory_space<vmem>>
    %dma_start3A_51 = arith.constant 0 : i32
    %dma_start3A_52 = tpu.memref_slice %arg6[%dma_start3A_45, %dma_start3A_51] : memref<160x128xi32, #tpu.memory_space<vmem>> -> memref<1x128xi32, #tpu.memory_space<vmem>>
    %dma_start3A_53 = tpu.memref_squeeze %dma_start3A_52 : memref<1x128xi32, #tpu.memory_space<vmem>> -> memref<128xi32, #tpu.memory_space<vmem>>
    %dma_start3A_54 = arith.constant 0 : i32
    %dma_start3A_55 = arith.constant 0 : i32
    %dma_start3A_56 = tpu.memref_slice %arg2[%arg0, %dma_start3A_54, %dma_start3A_55] : memref<2x10240x64xf32, #tpu.memory_space<hbm>> -> memref<1x10240x64xf32, #tpu.memory_space<hbm>>
    %dma_start3A_57 = tpu.memref_squeeze %dma_start3A_56 : memref<1x10240x64xf32, #tpu.memory_space<hbm>> -> memref<10240x64xf32, #tpu.memory_space<hbm>>
    %dma_start3A_58 = arith.constant 0 : i32
    %dma_start3A_59 = arith.constant 0 : i32
    %dma_start3A_60 = tpu.memref_slice %dma_start3A_57[%dma_start3A_58, %dma_start3A_59] : memref<10240x64xf32, #tpu.memory_space<hbm>> -> memref<10240x64xf32, #tpu.memory_space<hbm>>
    tpu.enqueue_indirect_dma source(%dma_start3A_60 : memref<10240x64xf32, #tpu.memory_space<hbm>>) target(%dma_start3A_50 : memref<128x64xf32, #tpu.memory_space<vmem>>) offsets(%dma_start3A_53 : memref<128xi32, #tpu.memory_space<vmem>>) semaphore(%arg10 : memref<!tpu.dma_semaphore, #tpu.memory_space<semaphore_mem>>)
    %dma_start3A_61 = arith.constant 2 : i32
    %dma_start3A_62 = arith.constant 2 : i32
    %dma_start3A_63 = arith.constant 0 : i32
    %dma_start3A_64 = arith.constant 0 : i32
    %dma_start3A_65 = tpu.memref_slice %arg8[%dma_start3A_62, %dma_start3A_63, %dma_start3A_64] : memref<6x128x64xf32, #tpu.memory_space<vmem>> -> memref<1x128x64xf32, #tpu.memory_space<vmem>>
    %dma_start3A_66 = tpu.memref_squeeze %dma_start3A_65 : memref<1x128x64xf32, #tpu.memory_space<vmem>> -> memref<128x64xf32, #tpu.memory_space<vmem>>
    %dma_start3A_67 = arith.constant 0 : i32
    %dma_start3A_68 = tpu.memref_slice %arg6[%dma_start3A_61, %dma_start3A_67] : memref<160x128xi32, #tpu.memory_space<vmem>> -> memref<1x128xi32, #tpu.memory_space<vmem>>
    %dma_start3A_69 = tpu.memref_squeeze %dma_start3A_68 : memref<1x128xi32, #tpu.memory_space<vmem>> -> memref<128xi32, #tpu.memory_space<vmem>>
    %dma_start3A_70 = arith.constant 0 : i32
    %dma_start3A_71 = arith.constant 0 : i32
    %dma_start3A_72 = tpu.memref_slice %arg2[%arg0, %dma_start3A_70, %dma_start3A_71] : memref<2x10240x64xf32, #tpu.memory_space<hbm>> -> memref<1x10240x64xf32, #tpu.memory_space<hbm>>
    %dma_start3A_73 = tpu.memref_squeeze %dma_start3A_72 : memref<1x10240x64xf32, #tpu.memory_space<hbm>> -> memref<10240x64xf32, #tpu.memory_space<hbm>>
    %dma_start3A_74 = arith.constant 0 : i32
    %dma_start3A_75 = arith.constant 0 : i32
    %dma_start3A_76 = tpu.memref_slice %dma_start3A_73[%dma_start3A_74, %dma_start3A_75] : memref<10240x64xf32, #tpu.memory_space<hbm>> -> memref<10240x64xf32, #tpu.memory_space<hbm>>
    tpu.enqueue_indirect_dma source(%dma_start3A_76 : memref<10240x64xf32, #tpu.memory_space<hbm>>) target(%dma_start3A_66 : memref<128x64xf32, #tpu.memory_space<vmem>>) offsets(%dma_start3A_69 : memref<128xi32, #tpu.memory_space<vmem>>) semaphore(%arg10 : memref<!tpu.dma_semaphore, #tpu.memory_space<semaphore_mem>>)
    %dma_start3A_77 = arith.constant 3 : i32
    %dma_start3A_78 = arith.constant 3 : i32
    %dma_start3A_79 = arith.constant 0 : i32
    %dma_start3A_80 = arith.constant 0 : i32
    %dma_start3A_81 = tpu.memref_slice %arg8[%dma_start3A_78, %dma_start3A_79, %dma_start3A_80] : memref<6x128x64xf32, #tpu.memory_space<vmem>> -> memref<1x128x64xf32, #tpu.memory_space<vmem>>
    %dma_start3A_82 = tpu.memref_squeeze %dma_start3A_81 : memref<1x128x64xf32, #tpu.memory_space<vmem>> -> memref<128x64xf32, #tpu.memory_space<vmem>>
    %dma_start3A_83 = arith.constant 0 : i32
    %dma_start3A_84 = tpu.memref_slice %arg6[%dma_start3A_77, %dma_start3A_83] : memref<160x128xi32, #tpu.memory_space<vmem>> -> memref<1x128xi32, #tpu.memory_space<vmem>>
    %dma_start3A_85 = tpu.memref_squeeze %dma_start3A_84 : memref<1x128xi32, #tpu.memory_space<vmem>> -> memref<128xi32, #tpu.memory_space<vmem>>
    %dma_start3A_86 = arith.constant 0 : i32
    %dma_start3A_87 = arith.constant 0 : i32
    %dma_start3A_88 = tpu.memref_slice %arg2[%arg0, %dma_start3A_86, %dma_start3A_87] : memref<2x10240x64xf32, #tpu.memory_space<hbm>> -> memref<1x10240x64xf32, #tpu.memory_space<hbm>>
    %dma_start3A_89 = tpu.memref_squeeze %dma_start3A_88 : memref<1x10240x64xf32, #tpu.memory_space<hbm>> -> memref<10240x64xf32, #tpu.memory_space<hbm>>
    %dma_start3A_90 = arith.constant 0 : i32
    %dma_start3A_91 = arith.constant 0 : i32
    %dma_start3A_92 = tpu.memref_slice %dma_start3A_89[%dma_start3A_90, %dma_start3A_91] : memref<10240x64xf32, #tpu.memory_space<hbm>> -> memref<10240x64xf32, #tpu.memory_space<hbm>>
    tpu.enqueue_indirect_dma source(%dma_start3A_92 : memref<10240x64xf32, #tpu.memory_space<hbm>>) target(%dma_start3A_82 : memref<128x64xf32, #tpu.memory_space<vmem>>) offsets(%dma_start3A_85 : memref<128xi32, #tpu.memory_space<vmem>>) semaphore(%arg10 : memref<!tpu.dma_semaphore, #tpu.memory_space<semaphore_mem>>)
    %scan3A_93 = arith.constant 0 : i32
    %scan3A_94 = arith.constant 160 : i32
    %scan3A_95 = arith.addi %scan3A_93, %scan3A_94 : i32
    %scan3A_96 = arith.constant 1 : i32
    scf.for %scan3A_174 = %scan3A_93 to %scan3A_95 step %scan3A_96  : i32 {
      %mul3A_175 = arith.constant 1 : i32
      %mul3A_176 = arith.muli %scan3A_174, %mul3A_175 : i32
      %add3A_177 = arith.constant 0 : i32
      %add3A_178 = arith.addi %add3A_177, %mul3A_176 : i32
      %rem3A = arith.constant 6 : i32
      %rem3A_179 = arith.remsi %add3A_178, %rem3A : i32
      %dma_wait3A_180 = arith.constant 0 : i32
      %dma_wait3A_181 = arith.constant 0 : i32
      %dma_wait3A_182 = tpu.memref_slice %arg8[%rem3A_179, %dma_wait3A_180, %dma_wait3A_181] : memref<6x128x64xf32, #tpu.memory_space<vmem>> -> memref<1x128x64xf32, #tpu.memory_space<vmem>>
      %dma_wait3A_183 = tpu.memref_squeeze %dma_wait3A_182 : memref<1x128x64xf32, #tpu.memory_space<vmem>> -> memref<128x64xf32, #tpu.memory_space<vmem>>
      %dma_wait3A_184 = arith.constant 0 : i32
      %dma_wait3A_185 = arith.constant 0 : i32
      %dma_wait3A_186 = tpu.memref_slice %arg2[%arg0, %dma_wait3A_184, %dma_wait3A_185] : memref<2x10240x64xf32, #tpu.memory_space<hbm>> -> memref<1x10240x64xf32, #tpu.memory_space<hbm>>
      %dma_wait3A_187 = tpu.memref_squeeze %dma_wait3A_186 : memref<1x10240x64xf32, #tpu.memory_space<hbm>> -> memref<10240x64xf32, #tpu.memory_space<hbm>>
      %dma_wait3A_188 = arith.constant 0 : i32
      %dma_wait3A_189 = arith.constant 0 : i32
      %dma_wait3A_190 = tpu.memref_slice %dma_wait3A_187[%dma_wait3A_188, %dma_wait3A_189] : memref<10240x64xf32, #tpu.memory_space<hbm>> -> memref<128x64xf32, #tpu.memory_space<hbm>>
      %dma_wait3A_191 = arith.constant 0 : i32
      %dma_wait3A_192 = arith.constant 0 : i32
      %dma_wait3A_193 = tpu.memref_slice %arg8[%rem3A_179, %dma_wait3A_191, %dma_wait3A_192] : memref<6x128x64xf32, #tpu.memory_space<vmem>> -> memref<1x128x64xf32, #tpu.memory_space<vmem>>
      %dma_wait3A_194 = tpu.memref_squeeze %dma_wait3A_193 : memref<1x128x64xf32, #tpu.memory_space<vmem>> -> memref<128x64xf32, #tpu.memory_space<vmem>>
      %dma_wait3A_195 = arith.constant 0 : i32
      %dma_wait3A_196 = arith.constant 0 : i32
      %dma_wait3A_197 = tpu.memref_slice %arg2[%arg0, %dma_wait3A_195, %dma_wait3A_196] : memref<2x10240x64xf32, #tpu.memory_space<hbm>> -> memref<1x10240x64xf32, #tpu.memory_space<hbm>>
      %dma_wait3A_198 = tpu.memref_squeeze %dma_wait3A_197 : memref<1x10240x64xf32, #tpu.memory_space<hbm>> -> memref<10240x64xf32, #tpu.memory_space<hbm>>
      %dma_wait3A_199 = arith.constant 0 : i32
      %dma_wait3A_200 = arith.constant 0 : i32
      %dma_wait3A_201 = tpu.memref_slice %dma_wait3A_198[%dma_wait3A_199, %dma_wait3A_200] : memref<10240x64xf32, #tpu.memory_space<hbm>> -> memref<128x64xf32, #tpu.memory_space<hbm>>
      tpu.wait_dma2 semaphore(%arg10 : memref<!tpu.dma_semaphore, #tpu.memory_space<semaphore_mem>>) src(%dma_wait3A_201 : memref<128x64xf32, #tpu.memory_space<hbm>>) dst(%dma_wait3A_194 : memref<128x64xf32, #tpu.memory_space<vmem>>)
      %dma_start3A_202 = arith.constant 0 : i32
      %dma_start3A_203 = arith.constant 0 : i32
      %dma_start3A_204 = tpu.memref_slice %arg8[%rem3A_179, %dma_start3A_202, %dma_start3A_203] : memref<6x128x64xf32, #tpu.memory_space<vmem>> -> memref<1x128x64xf32, #tpu.memory_space<vmem>>
      %dma_start3A_205 = tpu.memref_squeeze %dma_start3A_204 : memref<1x128x64xf32, #tpu.memory_space<vmem>> -> memref<128x64xf32, #tpu.memory_space<vmem>>
      %dma_start3A_206 = arith.constant 0 : i32
      %dma_start3A_207 = tpu.memref_slice %arg7[%add3A_178, %dma_start3A_206] : memref<160x128xi32, #tpu.memory_space<vmem>> -> memref<1x128xi32, #tpu.memory_space<vmem>>
      %dma_start3A_208 = tpu.memref_squeeze %dma_start3A_207 : memref<1x128xi32, #tpu.memory_space<vmem>> -> memref<128xi32, #tpu.memory_space<vmem>>
      %dma_start3A_209 = arith.constant 0 : i32
      %dma_start3A_210 = arith.constant 0 : i32
      %dma_start3A_211 = tpu.memref_slice %arg9[%dma_start3A_209, %dma_start3A_210] : memref<10240x64xf32, #tpu.memory_space<vmem_shared>> -> memref<10240x64xf32, #tpu.memory_space<vmem_shared>>
      tpu.enqueue_indirect_dma source(%dma_start3A_205 : memref<128x64xf32, #tpu.memory_space<vmem>>) target(%dma_start3A_211 : memref<10240x64xf32, #tpu.memory_space<vmem_shared>>) offsets(%dma_start3A_208 : memref<128xi32, #tpu.memory_space<vmem>>) semaphore(%arg11 : memref<!tpu.dma_semaphore, #tpu.memory_space<semaphore_mem>>) {add = true}
      %ge3A = arith.constant 2 : i32
      %ge3A_212 = arith.cmpi sge, %add3A_178, %ge3A : i32
      %add3A_213 = arith.constant 4 : i32
      %add3A_214 = arith.addi %add3A_178, %add3A_213 : i32
      %lt3A = arith.constant 160 : i32
      %lt3A_215 = arith.cmpi slt, %add3A_214, %lt3A : i32
      %and3A = arith.andi %ge3A_212, %lt3A_215 : i1
      %convert_element_type3A = arith.extui %and3A : i1 to i32
      %cond3A = arith.constant 0 : i32
      %cond3A_216 = arith.cmpi ne, %convert_element_type3A, %cond3A : i32
      scf.if %cond3A_216 {
        %dma_wait3A_224 = arith.constant 0 : i32
        %dma_wait3A_225 = arith.constant 0 : i32
        %dma_wait3A_226 = arith.constant 0 : i32
        %dma_wait3A_227 = arith.constant 0 : i32
        %dma_wait3A_228 = tpu.memref_slice %arg8[%dma_wait3A_224, %dma_wait3A_226, %dma_wait3A_227] : memref<6x128x64xf32, #tpu.memory_space<vmem>> -> memref<1x128x64xf32, #tpu.memory_space<vmem>>
        %dma_wait3A_229 = tpu.memref_squeeze %dma_wait3A_228 : memref<1x128x64xf32, #tpu.memory_space<vmem>> -> memref<128x64xf32, #tpu.memory_space<vmem>>
        %dma_wait3A_230 = arith.constant 0 : i32
        %dma_wait3A_231 = tpu.memref_slice %arg7[%dma_wait3A_225, %dma_wait3A_230] : memref<160x128xi32, #tpu.memory_space<vmem>> -> memref<1x128xi32, #tpu.memory_space<vmem>>
        %dma_wait3A_232 = tpu.memref_squeeze %dma_wait3A_231 : memref<1x128xi32, #tpu.memory_space<vmem>> -> memref<128xi32, #tpu.memory_space<vmem>>
        %dma_wait3A_233 = arith.constant 0 : i32
        %dma_wait3A_234 = arith.constant 0 : i32
        %dma_wait3A_235 = tpu.memref_slice %arg9[%dma_wait3A_233, %dma_wait3A_234] : memref<10240x64xf32, #tpu.memory_space<vmem_shared>> -> memref<10240x64xf32, #tpu.memory_space<vmem_shared>>
        tpu.wait_indirect_dma semaphore(%arg11 : memref<!tpu.dma_semaphore, #tpu.memory_space<semaphore_mem>>) src(%dma_wait3A_229 : memref<128x64xf32, #tpu.memory_space<vmem>>) dst(%dma_wait3A_235 : memref<10240x64xf32, #tpu.memory_space<vmem_shared>>)
      } else {
      }
      %add3A_217 = arith.constant 4 : i32
      %add3A_218 = arith.addi %add3A_178, %add3A_217 : i32
      %lt3A_219 = arith.constant 160 : i32
      %lt3A_220 = arith.cmpi slt, %add3A_218, %lt3A_219 : i32
      %convert_element_type3A_221 = arith.extui %lt3A_220 : i1 to i32
      %cond3A_222 = arith.constant 0 : i32
      %cond3A_223 = arith.cmpi ne, %convert_element_type3A_221, %cond3A_222 : i32
      scf.if %cond3A_223 {
        %add3A_224 = arith.constant 4 : i32
        %add3A_225 = arith.addi %add3A_178, %add3A_224 : i32
        %add3A_226 = arith.constant 4 : i32
        %add3A_227 = arith.addi %add3A_178, %add3A_226 : i32
        %rem3A_228 = arith.constant 6 : i32
        %rem3A_229 = arith.remsi %add3A_227, %rem3A_228 : i32
        %dma_start3A_230 = arith.constant 0 : i32
        %dma_start3A_231 = arith.constant 0 : i32
        %dma_start3A_232 = tpu.memref_slice %arg8[%rem3A_229, %dma_start3A_230, %dma_start3A_231] : memref<6x128x64xf32, #tpu.memory_space<vmem>> -> memref<1x128x64xf32, #tpu.memory_space<vmem>>
        %dma_start3A_233 = tpu.memref_squeeze %dma_start3A_232 : memref<1x128x64xf32, #tpu.memory_space<vmem>> -> memref<128x64xf32, #tpu.memory_space<vmem>>
        %dma_start3A_234 = arith.constant 0 : i32
        %dma_start3A_235 = tpu.memref_slice %arg6[%add3A_225, %dma_start3A_234] : memref<160x128xi32, #tpu.memory_space<vmem>> -> memref<1x128xi32, #tpu.memory_space<vmem>>
        %dma_start3A_236 = tpu.memref_squeeze %dma_start3A_235 : memref<1x128xi32, #tpu.memory_space<vmem>> -> memref<128xi32, #tpu.memory_space<vmem>>
        %dma_start3A_237 = arith.constant 0 : i32
        %dma_start3A_238 = arith.constant 0 : i32
        %dma_start3A_239 = tpu.memref_slice %arg2[%arg0, %dma_start3A_237, %dma_start3A_238] : memref<2x10240x64xf32, #tpu.memory_space<hbm>> -> memref<1x10240x64xf32, #tpu.memory_space<hbm>>
        %dma_start3A_240 = tpu.memref_squeeze %dma_start3A_239 : memref<1x10240x64xf32, #tpu.memory_space<hbm>> -> memref<10240x64xf32, #tpu.memory_space<hbm>>
        %dma_start3A_241 = arith.constant 0 : i32
        %dma_start3A_242 = arith.constant 0 : i32
        %dma_start3A_243 = tpu.memref_slice %dma_start3A_240[%dma_start3A_241, %dma_start3A_242] : memref<10240x64xf32, #tpu.memory_space<hbm>> -> memref<10240x64xf32, #tpu.memory_space<hbm>>
        tpu.enqueue_indirect_dma source(%dma_start3A_243 : memref<10240x64xf32, #tpu.memory_space<hbm>>) target(%dma_start3A_233 : memref<128x64xf32, #tpu.memory_space<vmem>>) offsets(%dma_start3A_236 : memref<128xi32, #tpu.memory_space<vmem>>) semaphore(%arg10 : memref<!tpu.dma_semaphore, #tpu.memory_space<semaphore_mem>>)
      } else {
      }
    }
    %scan3A_97 = arith.constant 160 : i32
    %dma_wait3A = arith.constant 0 : i32
    %dma_wait3A_98 = arith.constant 0 : i32
    %dma_wait3A_99 = arith.constant 0 : i32
    %dma_wait3A_100 = arith.constant 0 : i32
    %dma_wait3A_101 = tpu.memref_slice %arg8[%dma_wait3A, %dma_wait3A_99, %dma_wait3A_100] : memref<6x128x64xf32, #tpu.memory_space<vmem>> -> memref<1x128x64xf32, #tpu.memory_space<vmem>>
    %dma_wait3A_102 = tpu.memref_squeeze %dma_wait3A_101 : memref<1x128x64xf32, #tpu.memory_space<vmem>> -> memref<128x64xf32, #tpu.memory_space<vmem>>
    %dma_wait3A_103 = arith.constant 0 : i32
    %dma_wait3A_104 = tpu.memref_slice %arg7[%dma_wait3A_98, %dma_wait3A_103] : memref<160x128xi32, #tpu.memory_space<vmem>> -> memref<1x128xi32, #tpu.memory_space<vmem>>
    %dma_wait3A_105 = tpu.memref_squeeze %dma_wait3A_104 : memref<1x128xi32, #tpu.memory_space<vmem>> -> memref<128xi32, #tpu.memory_space<vmem>>
    %dma_wait3A_106 = arith.constant 0 : i32
    %dma_wait3A_107 = arith.constant 0 : i32
    %dma_wait3A_108 = tpu.memref_slice %arg9[%dma_wait3A_106, %dma_wait3A_107] : memref<10240x64xf32, #tpu.memory_space<vmem_shared>> -> memref<10240x64xf32, #tpu.memory_space<vmem_shared>>
    tpu.wait_indirect_dma semaphore(%arg11 : memref<!tpu.dma_semaphore, #tpu.memory_space<semaphore_mem>>) src(%dma_wait3A_102 : memref<128x64xf32, #tpu.memory_space<vmem>>) dst(%dma_wait3A_108 : memref<10240x64xf32, #tpu.memory_space<vmem_shared>>)
    %dma_wait3A_109 = arith.constant 0 : i32
    %dma_wait3A_110 = arith.constant 0 : i32
    %dma_wait3A_111 = arith.constant 0 : i32
    %dma_wait3A_112 = arith.constant 0 : i32
    %dma_wait3A_113 = tpu.memref_slice %arg8[%dma_wait3A_109, %dma_wait3A_111, %dma_wait3A_112] : memref<6x128x64xf32, #tpu.memory_space<vmem>> -> memref<1x128x64xf32, #tpu.memory_space<vmem>>
    %dma_wait3A_114 = tpu.memref_squeeze %dma_wait3A_113 : memref<1x128x64xf32, #tpu.memory_space<vmem>> -> memref<128x64xf32, #tpu.memory_space<vmem>>
    %dma_wait3A_115 = arith.constant 0 : i32
    %dma_wait3A_116 = tpu.memref_slice %arg7[%dma_wait3A_110, %dma_wait3A_115] : memref<160x128xi32, #tpu.memory_space<vmem>> -> memref<1x128xi32, #tpu.memory_space<vmem>>
    %dma_wait3A_117 = tpu.memref_squeeze %dma_wait3A_116 : memref<1x128xi32, #tpu.memory_space<vmem>> -> memref<128xi32, #tpu.memory_space<vmem>>
    %dma_wait3A_118 = arith.constant 0 : i32
    %dma_wait3A_119 = arith.constant 0 : i32
    %dma_wait3A_120 = tpu.memref_slice %arg9[%dma_wait3A_118, %dma_wait3A_119] : memref<10240x64xf32, #tpu.memory_space<vmem_shared>> -> memref<10240x64xf32, #tpu.memory_space<vmem_shared>>
    tpu.wait_indirect_dma semaphore(%arg11 : memref<!tpu.dma_semaphore, #tpu.memory_space<semaphore_mem>>) src(%dma_wait3A_114 : memref<128x64xf32, #tpu.memory_space<vmem>>) dst(%dma_wait3A_120 : memref<10240x64xf32, #tpu.memory_space<vmem_shared>>)
    %dma_wait3A_121 = arith.constant 0 : i32
    %dma_wait3A_122 = arith.constant 0 : i32
    %dma_wait3A_123 = arith.constant 0 : i32
    %dma_wait3A_124 = arith.constant 0 : i32
    %dma_wait3A_125 = tpu.memref_slice %arg8[%dma_wait3A_121, %dma_wait3A_123, %dma_wait3A_124] : memref<6x128x64xf32, #tpu.memory_space<vmem>> -> memref<1x128x64xf32, #tpu.memory_space<vmem>>
    %dma_wait3A_126 = tpu.memref_squeeze %dma_wait3A_125 : memref<1x128x64xf32, #tpu.memory_space<vmem>> -> memref<128x64xf32, #tpu.memory_space<vmem>>
    %dma_wait3A_127 = arith.constant 0 : i32
    %dma_wait3A_128 = tpu.memref_slice %arg7[%dma_wait3A_122, %dma_wait3A_127] : memref<160x128xi32, #tpu.memory_space<vmem>> -> memref<1x128xi32, #tpu.memory_space<vmem>>
    %dma_wait3A_129 = tpu.memref_squeeze %dma_wait3A_128 : memref<1x128xi32, #tpu.memory_space<vmem>> -> memref<128xi32, #tpu.memory_space<vmem>>
    %dma_wait3A_130 = arith.constant 0 : i32
    %dma_wait3A_131 = arith.constant 0 : i32
    %dma_wait3A_132 = tpu.memref_slice %arg9[%dma_wait3A_130, %dma_wait3A_131] : memref<10240x64xf32, #tpu.memory_space<vmem_shared>> -> memref<10240x64xf32, #tpu.memory_space<vmem_shared>>
    tpu.wait_indirect_dma semaphore(%arg11 : memref<!tpu.dma_semaphore, #tpu.memory_space<semaphore_mem>>) src(%dma_wait3A_126 : memref<128x64xf32, #tpu.memory_space<vmem>>) dst(%dma_wait3A_132 : memref<10240x64xf32, #tpu.memory_space<vmem_shared>>)
    %dma_wait3A_133 = arith.constant 0 : i32
    %dma_wait3A_134 = arith.constant 0 : i32
    %dma_wait3A_135 = arith.constant 0 : i32
    %dma_wait3A_136 = arith.constant 0 : i32
    %dma_wait3A_137 = tpu.memref_slice %arg8[%dma_wait3A_133, %dma_wait3A_135, %dma_wait3A_136] : memref<6x128x64xf32, #tpu.memory_space<vmem>> -> memref<1x128x64xf32, #tpu.memory_space<vmem>>
    %dma_wait3A_138 = tpu.memref_squeeze %dma_wait3A_137 : memref<1x128x64xf32, #tpu.memory_space<vmem>> -> memref<128x64xf32, #tpu.memory_space<vmem>>
    %dma_wait3A_139 = arith.constant 0 : i32
    %dma_wait3A_140 = tpu.memref_slice %arg7[%dma_wait3A_134, %dma_wait3A_139] : memref<160x128xi32, #tpu.memory_space<vmem>> -> memref<1x128xi32, #tpu.memory_space<vmem>>
    %dma_wait3A_141 = tpu.memref_squeeze %dma_wait3A_140 : memref<1x128xi32, #tpu.memory_space<vmem>> -> memref<128xi32, #tpu.memory_space<vmem>>
    %dma_wait3A_142 = arith.constant 0 : i32
    %dma_wait3A_143 = arith.constant 0 : i32
    %dma_wait3A_144 = tpu.memref_slice %arg9[%dma_wait3A_142, %dma_wait3A_143] : memref<10240x64xf32, #tpu.memory_space<vmem_shared>> -> memref<10240x64xf32, #tpu.memory_space<vmem_shared>>
    tpu.wait_indirect_dma semaphore(%arg11 : memref<!tpu.dma_semaphore, #tpu.memory_space<semaphore_mem>>) src(%dma_wait3A_138 : memref<128x64xf32, #tpu.memory_space<vmem>>) dst(%dma_wait3A_144 : memref<10240x64xf32, #tpu.memory_space<vmem_shared>>)
    %dma_wait3A_145 = arith.constant 0 : i32
    %dma_wait3A_146 = arith.constant 0 : i32
    %dma_wait3A_147 = arith.constant 0 : i32
    %dma_wait3A_148 = arith.constant 0 : i32
    %dma_wait3A_149 = tpu.memref_slice %arg8[%dma_wait3A_145, %dma_wait3A_147, %dma_wait3A_148] : memref<6x128x64xf32, #tpu.memory_space<vmem>> -> memref<1x128x64xf32, #tpu.memory_space<vmem>>
    %dma_wait3A_150 = tpu.memref_squeeze %dma_wait3A_149 : memref<1x128x64xf32, #tpu.memory_space<vmem>> -> memref<128x64xf32, #tpu.memory_space<vmem>>
    %dma_wait3A_151 = arith.constant 0 : i32
    %dma_wait3A_152 = tpu.memref_slice %arg7[%dma_wait3A_146, %dma_wait3A_151] : memref<160x128xi32, #tpu.memory_space<vmem>> -> memref<1x128xi32, #tpu.memory_space<vmem>>
    %dma_wait3A_153 = tpu.memref_squeeze %dma_wait3A_152 : memref<1x128xi32, #tpu.memory_space<vmem>> -> memref<128xi32, #tpu.memory_space<vmem>>
    %dma_wait3A_154 = arith.constant 0 : i32
    %dma_wait3A_155 = arith.constant 0 : i32
    %dma_wait3A_156 = tpu.memref_slice %arg9[%dma_wait3A_154, %dma_wait3A_155] : memref<10240x64xf32, #tpu.memory_space<vmem_shared>> -> memref<10240x64xf32, #tpu.memory_space<vmem_shared>>
    tpu.wait_indirect_dma semaphore(%arg11 : memref<!tpu.dma_semaphore, #tpu.memory_space<semaphore_mem>>) src(%dma_wait3A_150 : memref<128x64xf32, #tpu.memory_space<vmem>>) dst(%dma_wait3A_156 : memref<10240x64xf32, #tpu.memory_space<vmem_shared>>)
    %dma_wait3A_157 = arith.constant 0 : i32
    %dma_wait3A_158 = arith.constant 0 : i32
    %dma_wait3A_159 = arith.constant 0 : i32
    %dma_wait3A_160 = arith.constant 0 : i32
    %dma_wait3A_161 = tpu.memref_slice %arg8[%dma_wait3A_157, %dma_wait3A_159, %dma_wait3A_160] : memref<6x128x64xf32, #tpu.memory_space<vmem>> -> memref<1x128x64xf32, #tpu.memory_space<vmem>>
    %dma_wait3A_162 = tpu.memref_squeeze %dma_wait3A_161 : memref<1x128x64xf32, #tpu.memory_space<vmem>> -> memref<128x64xf32, #tpu.memory_space<vmem>>
    %dma_wait3A_163 = arith.constant 0 : i32
    %dma_wait3A_164 = tpu.memref_slice %arg7[%dma_wait3A_158, %dma_wait3A_163] : memref<160x128xi32, #tpu.memory_space<vmem>> -> memref<1x128xi32, #tpu.memory_space<vmem>>
    %dma_wait3A_165 = tpu.memref_squeeze %dma_wait3A_164 : memref<1x128xi32, #tpu.memory_space<vmem>> -> memref<128xi32, #tpu.memory_space<vmem>>
    %dma_wait3A_166 = arith.constant 0 : i32
    %dma_wait3A_167 = arith.constant 0 : i32
    %dma_wait3A_168 = tpu.memref_slice %arg9[%dma_wait3A_166, %dma_wait3A_167] : memref<10240x64xf32, #tpu.memory_space<vmem_shared>> -> memref<10240x64xf32, #tpu.memory_space<vmem_shared>>
    tpu.wait_indirect_dma semaphore(%arg11 : memref<!tpu.dma_semaphore, #tpu.memory_space<semaphore_mem>>) src(%dma_wait3A_162 : memref<128x64xf32, #tpu.memory_space<vmem>>) dst(%dma_wait3A_168 : memref<10240x64xf32, #tpu.memory_space<vmem_shared>>)
    %barrier3A_169 = arith.constant 0 : index
    tpu.barrier barrier_id(%barrier3A_169)
    %mul3A_170 = arith.constant 640 : i32
    %mul3A_171 = arith.muli %arg1, %mul3A_170 : i32
    %mul3A_172 = arith.constant 640 : i32
    %mul3A_173 = arith.muli %arg1, %mul3A_172 : i32
    "tpu.region"() ({
      %run_scoped3A_174 = tpu.sem_alloc : memref<!tpu.dma_semaphore, #tpu.memory_space<semaphore_mem>>
      %dma_start3A_175 = arith.constant 0 : i32
      %dma_start3A_176 = arith.constant 0 : i32
      %dma_start3A_177 = tpu.memref_slice %arg5[%arg0, %dma_start3A_175, %dma_start3A_176] : memref<2x10240x64xf32, #tpu.memory_space<hbm>> -> memref<1x10240x64xf32, #tpu.memory_space<hbm>>
      %dma_start3A_178 = tpu.memref_squeeze %dma_start3A_177 : memref<1x10240x64xf32, #tpu.memory_space<hbm>> -> memref<10240x64xf32, #tpu.memory_space<hbm>>
      %dma_start3A_179 = arith.constant 0 : i32
      %dma_start3A_180 = tpu.memref_slice %dma_start3A_178[%mul3A_173, %dma_start3A_179] : memref<10240x64xf32, #tpu.memory_space<hbm>> -> memref<640x64xf32, #tpu.memory_space<hbm>>
      %dma_start3A_181 = arith.constant 0 : i32
      %dma_start3A_182 = tpu.memref_slice %arg9[%mul3A_171, %dma_start3A_181] : memref<10240x64xf32, #tpu.memory_space<vmem_shared>> -> memref<640x64xf32, #tpu.memory_space<vmem_shared>>
      tpu.enqueue_dma source(%dma_start3A_182 : memref<640x64xf32, #tpu.memory_space<vmem_shared>>) target(%dma_start3A_180 : memref<640x64xf32, #tpu.memory_space<hbm>>) target_semaphore(%run_scoped3A_174 : memref<!tpu.dma_semaphore, #tpu.memory_space<semaphore_mem>>)
      %dma_wait3A_183 = arith.constant 0 : i32
      %dma_wait3A_184 = arith.constant 0 : i32
      %dma_wait3A_185 = tpu.memref_slice %arg5[%arg0, %dma_wait3A_183, %dma_wait3A_184] : memref<2x10240x64xf32, #tpu.memory_space<hbm>> -> memref<1x10240x64xf32, #tpu.memory_space<hbm>>
      %dma_wait3A_186 = tpu.memref_squeeze %dma_wait3A_185 : memref<1x10240x64xf32, #tpu.memory_space<hbm>> -> memref<10240x64xf32, #tpu.memory_space<hbm>>
      %dma_wait3A_187 = arith.constant 0 : i32
      %dma_wait3A_188 = tpu.memref_slice %dma_wait3A_186[%mul3A_173, %dma_wait3A_187] : memref<10240x64xf32, #tpu.memory_space<hbm>> -> memref<640x64xf32, #tpu.memory_space<hbm>>
      %dma_wait3A_189 = arith.constant 0 : i32
      %dma_wait3A_190 = tpu.memref_slice %arg9[%mul3A_171, %dma_wait3A_189] : memref<10240x64xf32, #tpu.memory_space<vmem_shared>> -> memref<640x64xf32, #tpu.memory_space<vmem_shared>>
      tpu.wait_dma2 semaphore(%run_scoped3A_174 : memref<!tpu.dma_semaphore, #tpu.memory_space<semaphore_mem>>) src(%dma_wait3A_190 : memref<640x64xf32, #tpu.memory_space<vmem_shared>>) dst(%dma_wait3A_188 : memref<640x64xf32, #tpu.memory_space<hbm>>)
      tpu.yield
    }) : () -> ()
    return
  }
}

module attributes {stable_mosaic.version = 14 : i64} {
  func.func @_tc_msg_body(%arg0: i32, %arg1: memref<256x128xf32, #tpu.memory_space<vmem>>, %arg2: memref<2x256x24xf32, #tpu.memory_space<vmem>>, %arg3: memref<128x128xf32, #tpu.memory_space<vmem>>, %arg4: memref<24x128xf32, #tpu.memory_space<vmem>>, %arg5: memref<1x128xf32, #tpu.memory_space<vmem>>, %arg6: memref<256x128xf32, #tpu.memory_space<vmem>>, %arg7: memref<2x256x64xf32, #tpu.memory_space<vmem>>) attributes {dimension_semantics = [#tpu.dimension_semantics<arbitrary>], iteration_bounds = array<i64: 40>, scalar_prefetch = 0 : i64, scratch_operands = 0 : i64, tpu.core_type = #tpu.core_type<tc>, window_params = [{transform_indices = @transform_0, window_bounds = array<i64: 256, 128>}, {transform_indices = @transform_1, window_bounds = array<i64: 2, 256, 24>}, {pipeline_mode = #tpu.pipeline_mode<synchronous>, transform_indices = @transform_2, window_bounds = array<i64: 128, 128>}, {pipeline_mode = #tpu.pipeline_mode<synchronous>, transform_indices = @transform_3, window_bounds = array<i64: 24, 128>}, {pipeline_mode = #tpu.pipeline_mode<synchronous>, transform_indices = @transform_4, window_bounds = array<i64: 1, 128>}, {transform_indices = @transform_5, window_bounds = array<i64: 256, 128>}, {transform_indices = @transform_6, window_bounds = array<i64: 2, 256, 64>}]} {
    %get3A = arith.constant 0 : index
    %get3A_0 = arith.constant 0 : index
    %get3A_1 = vector.load %arg1[%get3A, %get3A_0] : memref<256x128xf32, #tpu.memory_space<vmem>>, vector<256x128xf32>
    %get3A_2 = arith.constant 0 : index
    %get3A_3 = arith.constant 0 : index
    %get3A_4 = vector.load %arg3[%get3A_2, %get3A_3] : memref<128x128xf32, #tpu.memory_space<vmem>>, vector<128x128xf32>
    %dot_general3A = arith.constant dense<0.000000e+00> : vector<256x128xf32>
    %dot_general3A_5 = tpu.matmul %get3A_1, %get3A_4, %dot_general3A {dimension_numbers = #tpu.dot_dimension_numbers<[1], [0], [0], [1], [0, 0, 1, 1], [], []>, transpose_lhs_hint = false} : vector<256x128xf32>, vector<128x128xf32>, vector<256x128xf32> -> vector<256x128xf32>
    %get3A_6 = arith.constant 0 : index
    %get3A_7 = arith.constant 0 : index
    %get3A_8 = arith.constant 0 : index
    %get3A_9 = vector.load %arg2[%get3A_6, %get3A_7, %get3A_8] : memref<2x256x24xf32, #tpu.memory_space<vmem>>, vector<1x256x24xf32>
    %get3A_10 = vector.shape_cast %get3A_9 : vector<1x256x24xf32> to vector<256x24xf32>
    %get3A_11 = arith.constant 1 : index
    %get3A_12 = arith.constant 0 : index
    %get3A_13 = arith.constant 0 : index
    %get3A_14 = vector.load %arg2[%get3A_11, %get3A_12, %get3A_13] : memref<2x256x24xf32, #tpu.memory_space<vmem>>, vector<1x256x24xf32>
    %get3A_15 = vector.shape_cast %get3A_14 : vector<1x256x24xf32> to vector<256x24xf32>
    %add3A = arith.addf %get3A_10, %get3A_15 : vector<256x24xf32>
    %get3A_16 = arith.constant 0 : index
    %get3A_17 = arith.constant 0 : index
    %get3A_18 = vector.load %arg4[%get3A_16, %get3A_17] : memref<24x128xf32, #tpu.memory_space<vmem>>, vector<24x128xf32>
    %dot_general3A_19 = arith.constant dense<0.000000e+00> : vector<256x128xf32>
    %dot_general3A_20 = tpu.matmul %add3A, %get3A_18, %dot_general3A_19 {dimension_numbers = #tpu.dot_dimension_numbers<[1], [0], [0], [1], [0, 0, 1, 1], [], []>, transpose_lhs_hint = false} : vector<256x24xf32>, vector<24x128xf32>, vector<256x128xf32> -> vector<256x128xf32>
    %add3A_21 = arith.addf %dot_general3A_5, %dot_general3A_20 : vector<256x128xf32>
    %get3A_22 = arith.constant 0 : index
    %get3A_23 = arith.constant 0 : index
    %get3A_24 = vector.load %arg5[%get3A_22, %get3A_23] : memref<1x128xf32, #tpu.memory_space<vmem>>, vector<1x128xf32>
    %add3A_25 = vector.broadcast %get3A_24 : vector<1x128xf32> to vector<256x128xf32>
    %add3A_26 = arith.addf %add3A_21, %add3A_25 : vector<256x128xf32>
    %swap3A = arith.constant 0 : index
    %swap3A_27 = arith.constant 0 : index
    %swap3A_28 = vector.load %arg6[%swap3A, %swap3A_27] : memref<256x128xf32, #tpu.memory_space<vmem>>, vector<256x128xf32>
    tpu.vector_store %arg6[%swap3A, %swap3A_27], %add3A_26 {strides = array<i32>} : memref<256x128xf32, #tpu.memory_space<vmem>>, vector<256x128xf32>,
    %max3A = arith.constant 0.000000e+00 : f32
    %max3A_29 = vector.broadcast %max3A : f32 to vector<256x128xf32>
    %max3A_30 = arith.maximumf %add3A_26, %max3A_29 : vector<256x128xf32>
    %slice3A = vector.extract_strided_slice %max3A_30 {offsets = [0, 0], sizes = [256, 64], strides = [1, 1]} : vector<256x128xf32> to vector<256x64xf32>
    %swap3A_31 = arith.constant 0 : index
    %swap3A_32 = arith.constant 0 : index
    %swap3A_33 = arith.constant 0 : index
    %swap3A_34 = vector.load %arg7[%swap3A_31, %swap3A_32, %swap3A_33] : memref<2x256x64xf32, #tpu.memory_space<vmem>>, vector<1x256x64xf32>
    %swap3A_35 = vector.shape_cast %swap3A_34 : vector<1x256x64xf32> to vector<256x64xf32>
    %swap3A_36 = vector.shape_cast %slice3A : vector<256x64xf32> to vector<1x256x64xf32>
    tpu.vector_store %arg7[%swap3A_31, %swap3A_32, %swap3A_33], %swap3A_36 {strides = array<i32>} : memref<2x256x64xf32, #tpu.memory_space<vmem>>, vector<1x256x64xf32>,
    %slice3A_37 = vector.extract_strided_slice %max3A_30 {offsets = [0, 64], sizes = [256, 64], strides = [1, 1]} : vector<256x128xf32> to vector<256x64xf32>
    %swap3A_38 = arith.constant 1 : index
    %swap3A_39 = arith.constant 0 : index
    %swap3A_40 = arith.constant 0 : index
    %swap3A_41 = vector.load %arg7[%swap3A_38, %swap3A_39, %swap3A_40] : memref<2x256x64xf32, #tpu.memory_space<vmem>>, vector<1x256x64xf32>
    %swap3A_42 = vector.shape_cast %swap3A_41 : vector<1x256x64xf32> to vector<256x64xf32>
    %swap3A_43 = vector.shape_cast %slice3A_37 : vector<256x64xf32> to vector<1x256x64xf32>
    tpu.vector_store %arg7[%swap3A_38, %swap3A_39, %swap3A_40], %swap3A_43 {strides = array<i32>} : memref<2x256x64xf32, #tpu.memory_space<vmem>>, vector<1x256x64xf32>,
    return
  }
  func.func @transform_0(%arg0: i32) -> (i32, i32) {
    %c0_i32 = arith.constant 0 : i32
    %c0_i32_0 = arith.constant 0 : i32
    return %arg0, %c0_i32 : i32, i32
  }
  func.func @transform_1(%arg0: i32) -> (i32, i32, i32) {
    %c0_i32 = arith.constant 0 : i32
    %c0_i32_0 = arith.constant 0 : i32
    %c0_i32_1 = arith.constant 0 : i32
    return %c0_i32, %arg0, %c0_i32_0 : i32, i32, i32
  }
  func.func @transform_2(%arg0: i32) -> (i32, i32) {
    %c0_i32 = arith.constant 0 : i32
    %c0_i32_0 = arith.constant 0 : i32
    %c0_i32_1 = arith.constant 0 : i32
    return %c0_i32, %c0_i32_0 : i32, i32
  }
  func.func @transform_3(%arg0: i32) -> (i32, i32) {
    %c0_i32 = arith.constant 0 : i32
    %c0_i32_0 = arith.constant 0 : i32
    %c0_i32_1 = arith.constant 0 : i32
    return %c0_i32, %c0_i32_0 : i32, i32
  }
  func.func @transform_4(%arg0: i32) -> (i32, i32) {
    %c0_i32 = arith.constant 0 : i32
    %c0_i32_0 = arith.constant 0 : i32
    %c0_i32_1 = arith.constant 0 : i32
    return %c0_i32, %c0_i32_0 : i32, i32
  }
  func.func @transform_5(%arg0: i32) -> (i32, i32) {
    %c0_i32 = arith.constant 0 : i32
    %c0_i32_0 = arith.constant 0 : i32
    return %arg0, %c0_i32 : i32, i32
  }
  func.func @transform_6(%arg0: i32) -> (i32, i32, i32) {
    %c0_i32 = arith.constant 0 : i32
    %c0_i32_0 = arith.constant 0 : i32
    %c0_i32_1 = arith.constant 0 : i32
    return %c0_i32, %arg0, %c0_i32_0 : i32, i32, i32
  }
}

module attributes {stable_mosaic.version = 14 : i64} {
  func.func @_tc_round_body(%arg0: i32, %arg1: memref<2x256x64xf32, #tpu.memory_space<vmem>>, %arg2: memref<256x128xf32, #tpu.memory_space<vmem>>, %arg3: memref<128x128xf32, #tpu.memory_space<vmem>>, %arg4: memref<1x128xf32, #tpu.memory_space<vmem>>, %arg5: memref<2x256x64xf32, #tpu.memory_space<vmem>>) attributes {dimension_semantics = [#tpu.dimension_semantics<arbitrary>], iteration_bounds = array<i64: 40>, scalar_prefetch = 0 : i64, scratch_operands = 0 : i64, tpu.core_type = #tpu.core_type<tc>, window_params = [{transform_indices = @transform_0, window_bounds = array<i64: 2, 256, 64>}, {transform_indices = @transform_1, window_bounds = array<i64: 256, 128>}, {pipeline_mode = #tpu.pipeline_mode<synchronous>, transform_indices = @transform_2, window_bounds = array<i64: 128, 128>}, {pipeline_mode = #tpu.pipeline_mode<synchronous>, transform_indices = @transform_3, window_bounds = array<i64: 1, 128>}, {transform_indices = @transform_4, window_bounds = array<i64: 2, 256, 64>}]} {
    %get3A = arith.constant 0 : index
    %get3A_0 = arith.constant 0 : index
    %get3A_1 = arith.constant 0 : index
    %get3A_2 = vector.load %arg1[%get3A, %get3A_0, %get3A_1] : memref<2x256x64xf32, #tpu.memory_space<vmem>>, vector<1x256x64xf32>
    %get3A_3 = vector.shape_cast %get3A_2 : vector<1x256x64xf32> to vector<256x64xf32>
    %get3A_4 = arith.constant 1 : index
    %get3A_5 = arith.constant 0 : index
    %get3A_6 = arith.constant 0 : index
    %get3A_7 = vector.load %arg1[%get3A_4, %get3A_5, %get3A_6] : memref<2x256x64xf32, #tpu.memory_space<vmem>>, vector<1x256x64xf32>
    %get3A_8 = vector.shape_cast %get3A_7 : vector<1x256x64xf32> to vector<256x64xf32>
    %concatenate3A = tpu.concatenate %get3A_3, %get3A_8 in 1 : vector<256x64xf32>, vector<256x64xf32> -> vector<256x128xf32>
    %get3A_9 = arith.constant 0 : index
    %get3A_10 = arith.constant 0 : index
    %get3A_11 = vector.load %arg3[%get3A_9, %get3A_10] : memref<128x128xf32, #tpu.memory_space<vmem>>, vector<128x128xf32>
    %dot_general3A = arith.constant dense<0.000000e+00> : vector<256x128xf32>
    %dot_general3A_12 = tpu.matmul %concatenate3A, %get3A_11, %dot_general3A {dimension_numbers = #tpu.dot_dimension_numbers<[1], [0], [0], [1], [0, 0, 1, 1], [], []>, transpose_lhs_hint = false} : vector<256x128xf32>, vector<128x128xf32>, vector<256x128xf32> -> vector<256x128xf32>
    %get3A_13 = arith.constant 0 : index
    %get3A_14 = arith.constant 0 : index
    %get3A_15 = vector.load %arg4[%get3A_13, %get3A_14] : memref<1x128xf32, #tpu.memory_space<vmem>>, vector<1x128xf32>
    %get3A_16 = arith.constant 0 : index
    %get3A_17 = arith.constant 0 : index
    %get3A_18 = vector.load %arg2[%get3A_16, %get3A_17] : memref<256x128xf32, #tpu.memory_space<vmem>>, vector<256x128xf32>
    %add3A = vector.broadcast %get3A_15 : vector<1x128xf32> to vector<256x128xf32>
    %add3A_19 = arith.addf %add3A, %get3A_18 : vector<256x128xf32>
    %add3A_20 = arith.addf %dot_general3A_12, %add3A_19 : vector<256x128xf32>
    %max3A = arith.constant 0.000000e+00 : f32
    %max3A_21 = vector.broadcast %max3A : f32 to vector<256x128xf32>
    %max3A_22 = arith.maximumf %add3A_20, %max3A_21 : vector<256x128xf32>
    %slice3A = vector.extract_strided_slice %max3A_22 {offsets = [0, 0], sizes = [256, 64], strides = [1, 1]} : vector<256x128xf32> to vector<256x64xf32>
    %swap3A = arith.constant 0 : index
    %swap3A_23 = arith.constant 0 : index
    %swap3A_24 = arith.constant 0 : index
    %swap3A_25 = vector.load %arg5[%swap3A, %swap3A_23, %swap3A_24] : memref<2x256x64xf32, #tpu.memory_space<vmem>>, vector<1x256x64xf32>
    %swap3A_26 = vector.shape_cast %swap3A_25 : vector<1x256x64xf32> to vector<256x64xf32>
    %swap3A_27 = vector.shape_cast %slice3A : vector<256x64xf32> to vector<1x256x64xf32>
    tpu.vector_store %arg5[%swap3A, %swap3A_23, %swap3A_24], %swap3A_27 {strides = array<i32>} : memref<2x256x64xf32, #tpu.memory_space<vmem>>, vector<1x256x64xf32>,
    %slice3A_28 = vector.extract_strided_slice %max3A_22 {offsets = [0, 64], sizes = [256, 64], strides = [1, 1]} : vector<256x128xf32> to vector<256x64xf32>
    %swap3A_29 = arith.constant 1 : index
    %swap3A_30 = arith.constant 0 : index
    %swap3A_31 = arith.constant 0 : index
    %swap3A_32 = vector.load %arg5[%swap3A_29, %swap3A_30, %swap3A_31] : memref<2x256x64xf32, #tpu.memory_space<vmem>>, vector<1x256x64xf32>
    %swap3A_33 = vector.shape_cast %swap3A_32 : vector<1x256x64xf32> to vector<256x64xf32>
    %swap3A_34 = vector.shape_cast %slice3A_28 : vector<256x64xf32> to vector<1x256x64xf32>
    tpu.vector_store %arg5[%swap3A_29, %swap3A_30, %swap3A_31], %swap3A_34 {strides = array<i32>} : memref<2x256x64xf32, #tpu.memory_space<vmem>>, vector<1x256x64xf32>,
    return
  }
  func.func @transform_0(%arg0: i32) -> (i32, i32, i32) {
    %c0_i32 = arith.constant 0 : i32
    %c0_i32_0 = arith.constant 0 : i32
    %c0_i32_1 = arith.constant 0 : i32
    return %c0_i32, %arg0, %c0_i32_0 : i32, i32, i32
  }
  func.func @transform_1(%arg0: i32) -> (i32, i32) {
    %c0_i32 = arith.constant 0 : i32
    %c0_i32_0 = arith.constant 0 : i32
    return %arg0, %c0_i32 : i32, i32
  }
  func.func @transform_2(%arg0: i32) -> (i32, i32) {
    %c0_i32 = arith.constant 0 : i32
    %c0_i32_0 = arith.constant 0 : i32
    %c0_i32_1 = arith.constant 0 : i32
    return %c0_i32, %c0_i32_0 : i32, i32
  }
  func.func @transform_3(%arg0: i32) -> (i32, i32) {
    %c0_i32 = arith.constant 0 : i32
    %c0_i32_0 = arith.constant 0 : i32
    %c0_i32_1 = arith.constant 0 : i32
    return %c0_i32, %c0_i32_0 : i32, i32
  }
  func.func @transform_4(%arg0: i32) -> (i32, i32, i32) {
    %c0_i32 = arith.constant 0 : i32
    %c0_i32_0 = arith.constant 0 : i32
    %c0_i32_1 = arith.constant 0 : i32
    return %c0_i32, %arg0, %c0_i32_0 : i32, i32, i32
  }
}

module attributes {stable_mosaic.version = 14 : i64} {
  func.func @_tc_pool_body(%arg0: i32, %arg1: memref<2x256x64xf32, #tpu.memory_space<vmem>>, %arg2: memref<1x1x256xi32, #tpu.memory_space<vmem>>, %arg3: memref<128x128xf32, #tpu.memory_space<vmem>>, %arg4: memref<1x128xf32, #tpu.memory_space<vmem>>, %arg5: memref<64x128xf32, #tpu.memory_space<vmem>>) attributes {dimension_semantics = [#tpu.dimension_semantics<arbitrary>], iteration_bounds = array<i64: 40>, scalar_prefetch = 0 : i64, scratch_operands = 0 : i64, tpu.core_type = #tpu.core_type<tc>, window_params = [{transform_indices = @transform_0, window_bounds = array<i64: 2, 256, 64>}, {transform_indices = @transform_1, window_bounds = array<i64: 1, 1, 256>}, {pipeline_mode = #tpu.pipeline_mode<synchronous>, transform_indices = @transform_2, window_bounds = array<i64: 128, 128>}, {pipeline_mode = #tpu.pipeline_mode<synchronous>, transform_indices = @transform_3, window_bounds = array<i64: 1, 128>}, {pipeline_mode = #tpu.pipeline_mode<synchronous>, transform_indices = @transform_4, window_bounds = array<i64: 64, 128>}]} {
    %get3A = arith.constant 0 : index
    %get3A_0 = arith.constant 0 : index
    %get3A_1 = arith.constant 0 : index
    %get3A_2 = vector.load %arg1[%get3A, %get3A_0, %get3A_1] : memref<2x256x64xf32, #tpu.memory_space<vmem>>, vector<1x256x64xf32>
    %get3A_3 = vector.shape_cast %get3A_2 : vector<1x256x64xf32> to vector<256x64xf32>
    %get3A_4 = arith.constant 1 : index
    %get3A_5 = arith.constant 0 : index
    %get3A_6 = arith.constant 0 : index
    %get3A_7 = vector.load %arg1[%get3A_4, %get3A_5, %get3A_6] : memref<2x256x64xf32, #tpu.memory_space<vmem>>, vector<1x256x64xf32>
    %get3A_8 = vector.shape_cast %get3A_7 : vector<1x256x64xf32> to vector<256x64xf32>
    %concatenate3A = tpu.concatenate %get3A_3, %get3A_8 in 1 : vector<256x64xf32>, vector<256x64xf32> -> vector<256x128xf32>
    %get3A_9 = arith.constant 0 : index
    %get3A_10 = arith.constant 0 : index
    %get3A_11 = vector.load %arg3[%get3A_9, %get3A_10] : memref<128x128xf32, #tpu.memory_space<vmem>>, vector<128x128xf32>
    %dot_general3A = arith.constant dense<0.000000e+00> : vector<256x128xf32>
    %dot_general3A_12 = tpu.matmul %concatenate3A, %get3A_11, %dot_general3A {dimension_numbers = #tpu.dot_dimension_numbers<[1], [0], [0], [1], [0, 0, 1, 1], [], []>, transpose_lhs_hint = false} : vector<256x128xf32>, vector<128x128xf32>, vector<256x128xf32> -> vector<256x128xf32>
    %get3A_13 = arith.constant 0 : index
    %get3A_14 = arith.constant 0 : index
    %get3A_15 = vector.load %arg4[%get3A_13, %get3A_14] : memref<1x128xf32, #tpu.memory_space<vmem>>, vector<1x128xf32>
    %add3A = vector.broadcast %get3A_15 : vector<1x128xf32> to vector<256x128xf32>
    %add3A_16 = arith.addf %dot_general3A_12, %add3A : vector<256x128xf32>
    %max3A = arith.constant 0.000000e+00 : f32
    %max3A_17 = vector.broadcast %max3A : f32 to vector<256x128xf32>
    %max3A_18 = arith.maximumf %add3A_16, %max3A_17 : vector<256x128xf32>
    %get3A_19 = arith.constant 0 : index
    %get3A_20 = arith.constant 0 : index
    %get3A_21 = arith.constant 0 : index
    %get3A_22 = vector.load %arg2[%get3A_19, %get3A_20, %get3A_21] : memref<1x1x256xi32, #tpu.memory_space<vmem>>, vector<1x1x256xi32>
    %get3A_23 = vector.shape_cast %get3A_22 : vector<1x1x256xi32> to vector<256xi32>
    %iota3A = tpu.iota {dimensions = array<i32: 0>} : vector<64x256xi32>
    %broadcast_in_dim3A = vector.shape_cast %get3A_23 : vector<256xi32> to vector<1x256xi32>
    %eq3A = vector.broadcast %broadcast_in_dim3A : vector<1x256xi32> to vector<64x256xi32>
    %eq3A_24 = arith.cmpi eq, %iota3A, %eq3A : vector<64x256xi32>
    %convert_element_type3A = arith.extui %eq3A_24 : vector<64x256xi1> to vector<64x256xi32>
    %convert_element_type3A_25 = arith.sitofp %convert_element_type3A : vector<64x256xi32> to vector<64x256xf32>
    %dot_general3A_26 = arith.constant dense<0.000000e+00> : vector<64x128xf32>
    %dot_general3A_27 = tpu.matmul %convert_element_type3A_25, %max3A_18, %dot_general3A_26 {dimension_numbers = #tpu.dot_dimension_numbers<[1], [0], [0], [1], [0, 0, 1, 1], [], []>, transpose_lhs_hint = false} : vector<64x256xf32>, vector<256x128xf32>, vector<64x128xf32> -> vector<64x128xf32>
    %eq3A_28 = arith.constant 0 : i32
    %eq3A_29 = arith.cmpi eq, %arg0, %eq3A_28 : i32
    %convert_element_type3A_30 = arith.extui %eq3A_29 : i1 to i32
    %cond3A = arith.constant 0 : i32
    %cond3A_31 = arith.cmpi ne, %convert_element_type3A_30, %cond3A : i32
    scf.if %cond3A_31 {
      %broadcast_in_dim3A_38 = arith.constant 0.000000e+00 : f32
      %broadcast_in_dim3A_39 = vector.broadcast %broadcast_in_dim3A_38 : f32 to vector<64x128xf32>
      %swap3A_40 = arith.constant 0 : index
      %swap3A_41 = arith.constant 0 : index
      %swap3A_42 = vector.load %arg5[%swap3A_40, %swap3A_41] : memref<64x128xf32, #tpu.memory_space<vmem>>, vector<64x128xf32>
      tpu.vector_store %arg5[%swap3A_40, %swap3A_41], %broadcast_in_dim3A_39 {strides = array<i32>} : memref<64x128xf32, #tpu.memory_space<vmem>>, vector<64x128xf32>,
    } else {
    }
    %get3A_32 = arith.constant 0 : index
    %get3A_33 = arith.constant 0 : index
    %get3A_34 = vector.load %arg5[%get3A_32, %get3A_33] : memref<64x128xf32, #tpu.memory_space<vmem>>, vector<64x128xf32>
    %add3A_35 = arith.addf %get3A_34, %dot_general3A_27 : vector<64x128xf32>
    %swap3A = arith.constant 0 : index
    %swap3A_36 = arith.constant 0 : index
    %swap3A_37 = vector.load %arg5[%swap3A, %swap3A_36] : memref<64x128xf32, #tpu.memory_space<vmem>>, vector<64x128xf32>
    tpu.vector_store %arg5[%swap3A, %swap3A_36], %add3A_35 {strides = array<i32>} : memref<64x128xf32, #tpu.memory_space<vmem>>, vector<64x128xf32>,
    return
  }
  func.func @transform_0(%arg0: i32) -> (i32, i32, i32) {
    %c0_i32 = arith.constant 0 : i32
    %c0_i32_0 = arith.constant 0 : i32
    %c0_i32_1 = arith.constant 0 : i32
    return %c0_i32, %arg0, %c0_i32_0 : i32, i32, i32
  }
  func.func @transform_1(%arg0: i32) -> (i32, i32, i32) {
    %c0_i32 = arith.constant 0 : i32
    %c0_i32_0 = arith.constant 0 : i32
    %c0_i32_1 = arith.constant 0 : i32
    return %arg0, %c0_i32, %c0_i32_0 : i32, i32, i32
  }
  func.func @transform_2(%arg0: i32) -> (i32, i32) {
    %c0_i32 = arith.constant 0 : i32
    %c0_i32_0 = arith.constant 0 : i32
    %c0_i32_1 = arith.constant 0 : i32
    return %c0_i32, %c0_i32_0 : i32, i32
  }
  func.func @transform_3(%arg0: i32) -> (i32, i32) {
    %c0_i32 = arith.constant 0 : i32
    %c0_i32_0 = arith.constant 0 : i32
    %c0_i32_1 = arith.constant 0 : i32
    return %c0_i32, %c0_i32_0 : i32, i32
  }
  func.func @transform_4(%arg0: i32) -> (i32, i32) {
    %c0_i32 = arith.constant 0 : i32
    %c0_i32_0 = arith.constant 0 : i32
    %c0_i32_1 = arith.constant 0 : i32
    return %c0_i32, %c0_i32_0 : i32, i32
  }
}

</mosaic_0001>

<sc_bundles>
// kernel: sc_edge_pool.3.cloned.1.call-start
scs
__scs_entry_jumppad:
0x0: {  	(pc) =	sbr.rel $0x88, $3  }
0x1: {  	(tag) =	ssettag $0x0;
	lr =	simm.s32 $0x1  }
0x2: {  	[smem:$0x3F91] =	sst lr;
	_ =	strace $0xD0000000  }
0x3: {  	_ = 	snop  }
0x4: {  	_ = 	snop  }
0x5: {  	_ = 	snop  }
0x6: {  	_ = 	snop  }
0x7: {  	_ = 	snop  }
__scs_overlays_trampoline_lowered:
0x8: {  	[smem:$0x3FA0] =	sst s0  }
0x9: {  	[smem:$0x3FA1] =	sst s1  }
0xa: {  	[smem:$0x3FA2] =	sst s2  }
0xb: {  	[smem:$0x3FA3] =	sst s3  }
0xc: {  	[smem:$0x3FA4] =	sst s4  }
0xd: {  	[smem:$0x3FA5] =	sst s5  }
0xe: {  	[smem:$0x3FA6] =	sst s6  }
0xf: {  	[smem:$0x3FA7] =	sst s7  }
0x10: {  	[smem:$0x3FA8] =	sst s8  }
0x11: {  	[smem:$0x3FA9] =	sst s9;
	s0 =	simm.s32 @!p0 $0x0  }
0x12: {  	s1 =	sld [smem:$0x3F8F];
	s0 =	simm.s32 @p0 $0x1  }
0x13: {  	[smem:$0x3FAA] =	sst s0;
	s0 =	simm.s32 @!p1 $0x0  }
0x14: {  	s2 =	sld [smem:$0x3F8E];
	s0 =	simm.s32 @p1 $0x1  }
0x15: {  	[smem:$0x3FAB] =	sst s0;
	s0 =	simm.s32 @!p2 $0x0  }
0x16: {  	s3 =	sld [smem:$0x3FDB];
	s0 =	simm.s32 @p2 $0x1  }
0x17: {  	s4 =	simm.s32 $0x1BF5;
	[smem:$0x3FAD] =	sst s0  }
0x18: {  	s0 =	sld [smem:$0x3F90];
	_ =	swait.ge [sflag:s4], $0x0  }
0x19: {  	s7 =	sld [smem:$0x3F91]  }
0x1a: {  	s8 =	sadd.s32 $0xFFFFE003, lr  }
0x1b: {  	s9 =	sadd.s32 $0xFFFFFEF7, lr;
	s5 =	simm.s32 $0xFFFFFFFF;
	p2 =	slt.u32 s8, $0xFFFFF086  }
0x1c: {  	p1 =	slt.u32 s9, $0xF7A;
	s5 =	simm.s32 @!p2 $0x0  }
0x1d: {  	s5 =	simm.s32 @p1 $0x1;
	p0 =	seq.s32 s7, s2  }
0x1e: {  	s7 =	smul.u32 @!p0 $0xF7A, s2;
	p2 =	seq.s32 @!p0 s5, $0x0  }
0x1f: {  	s9 =	smul.u32 $0xF7A, s1;
	s8 =	simm.s32 @!p0 $0x1BF5;
	p2 =	por !p2, p0  }
0x20: {  	[sflag:s8] =	ssyncset.s32 @!p0 $0xFFFFF086;
	s6 =	sadd.s32 @!p0 s3, s7;
	s7 =	simm.s32 @!p0 $0x108  }
0x21: {  	s3 =	sadd.s32 s3, s9;
	s6 =	sadd.s32 @!p0 $0x88, s6;
	s7 =	simm.s32 @p2 $0x1082  }
0x22: {  	[simem:s7], [sflag:s8] =	dma.local @!p0 [hbm:s6], $0xF7A  }
0x23: {  	s9 =	sor.u32 $0xD0000000, s2;
	s6 =	simm.s32 $0x108;
	_ =	swait.ge @!p0 [sflag:s8], $0x0  }
0x24: {  	s3 =	sadd.s32 $0x88, s3;
	s6 =	simm.s32 @!p1 $0x1082;
	[sflag:s4] =	ssyncset.s32 $0xFFFFF086  }
0x25: {  	[simem:s6], [sflag:s4] =	dma.local [hbm:s3], $0xF7A  }
0x26: {  	[smem:$0x3F91] =	sst s1;
	(tag) =	ssettag s2;
	_ =	strace s9  }
0x27: {  	s1 =	sld [smem:$0x3FA1]  }
0x28: {  	s2 =	sld [smem:$0x3FA2]  }
0x29: {  	s4 =	sld [smem:$0x3FA4]  }
0x2a: {  	p0 =	seq.s32 s5, $0x0;
	s5 =	sld [smem:$0x3FA5]  }
0x2b: {  	s6 =	sld [smem:$0x3FA6]  }
0x2c: {  	s7 =	sld [smem:$0x3FA7]  }
0x2d: {  	s3 =	simm.s32 $0x108;
	s8 =	sld [smem:$0x3FA8]  }
0x2e: {  	s3 =	simm.s32 @!p0 $0x1082;
	s9 =	sld [smem:$0x3FA9]  }
0x2f: {  	lr =	sadd.s32 s0, s3;
	s0 =	sld [smem:$0x3FA0]  }
0x30: {  	s3 =	sld [smem:$0x3FA3]  }
0x31: {  	[smem:$0x3FAC] =	sst s10  }
0x32: {  	s10 =	sld [smem:$0x3FAA];
	_ =	sdelay $0x3  }
0x33: {  	p0 =	seq.s32 s10, $0x1;
	s10 =	sld [smem:$0x3FAC];
	_ =	sdelay $0x3  }
0x34: {  	[smem:$0x3FAC] =	sst s10  }
0x35: {  	s10 =	sld [smem:$0x3FAB];
	_ =	sdelay $0x3  }
0x36: {  	p1 =	seq.s32 s10, $0x1;
	s10 =	sld [smem:$0x3FAC];
	_ =	sdelay $0x3  }
0x37: {  	[smem:$0x3FAC] =	sst s10  }
0x38: {  	s10 =	sld [smem:$0x3FAD]  }
0x39: {  	_ = 	snop;
	(pc) =	sbr.ind lr, $3  }
0x3a: {  	_ = 	snop  }
0x3b: {  	_ = 	snop  }
0x3c: {  	p2 =	seq.s32 s10, $0x1;
	s10 =	sld [smem:$0x3FAC]  }
0x3d: {  	_ =	shalt  }
0x3e: {  	_ =	shalt  }
0x3f: {  	_ =	shalt  }
0x40: {  	_ =	shalt  }
0x41: {  	_ =	shalt  }
0x42: {  	_ =	shalt  }
0x43: {  	_ =	shalt  }
0x44: {  	_ =	shalt  }
0x45: {  	_ =	shalt  }
0x46: {  	_ =	shalt  }
0x47: {  	_ =	shalt  }
0x48: {  	_ =	shalt  }
0x49: {  	_ =	shalt  }
0x4a: {  	_ =	shalt  }
0x4b: {  	_ =	shalt  }
0x4c: {  	_ =	shalt  }
0x4d: {  	_ =	shalt  }
0x4e: {  	_ =	shalt  }
0x4f: {  	_ =	shalt  }
0x50: {  	_ =	shalt  }
0x51: {  	_ =	shalt  }
0x52: {  	_ =	shalt  }
0x53: {  	_ =	shalt  }
0x54: {  	_ =	shalt  }
0x55: {  	_ =	shalt  }
0x56: {  	_ =	shalt  }
0x57: {  	_ =	shalt  }
0x58: {  	_ =	shalt  }
0x59: {  	_ =	shalt  }
0x5a: {  	_ =	shalt  }
0x5b: {  	_ =	shalt  }
0x5c: {  	_ =	shalt  }
0x5d: {  	_ =	shalt  }
0x5e: {  	_ =	shalt  }
0x5f: {  	_ =	shalt  }
0x60: {  	_ =	shalt  }
0x61: {  	_ =	shalt  }
0x62: {  	_ =	shalt  }
0x63: {  	_ =	shalt  }
0x64: {  	_ =	shalt  }
0x65: {  	_ =	shalt  }
0x66: {  	_ =	shalt  }
0x67: {  	_ =	shalt  }
0x68: {  	_ =	shalt  }
0x69: {  	_ =	shalt  }
0x6a: {  	_ =	shalt  }
0x6b: {  	_ =	shalt  }
0x6c: {  	_ =	shalt  }
0x6d: {  	_ =	shalt  }
0x6e: {  	_ =	shalt  }
0x6f: {  	_ =	shalt  }
0x70: {  	_ =	shalt  }
0x71: {  	_ =	shalt  }
0x72: {  	_ =	shalt  }
0x73: {  	_ =	shalt  }
0x74: {  	_ =	shalt  }
0x75: {  	_ =	shalt  }
0x76: {  	_ =	shalt  }
0x77: {  	_ =	shalt  }
0x78: {  	_ =	shalt  }
0x79: {  	_ =	shalt  }
0x7a: {  	_ =	shalt  }
0x7b: {  	_ =	shalt  }
0x7c: {  	_ =	shalt  }
0x7d: {  	_ =	shalt  }
0x7e: {  	_ =	shalt  }
0x7f: {  	_ =	shalt  }
0x80: {  	_ =	shalt  }
0x81: {  	_ =	shalt  }
0x82: {  	_ =	shalt  }
0x83: {  	_ =	shalt  }
0x84: {  	_ =	shalt  }
0x85: {  	_ =	shalt  }
0x86: {  	_ =	shalt  }
0x87: {  	_ =	shalt  }
.Lfunc_end0:
.L_simem_size_0:
called_computation.1_lowered:
.L_overlay_start_0:
0x88: {  	s2 =	sld [smem:$0x3FD9]  }
0x89: {  	s3 =	sld [smem:$0x3FFE];
	_ =	sdelay $0x1  }
0x8a: {  	s1 =	srdreg.scid  }
0x8b: {  	s0 =	sand.u32 $0x1, s1  }
0x8c: {  	s16 =	sshll.u32 s0, $0xA;
	s2 =	sadd.s32 s3, s2  }
0x8d: {  	s2 =	sadd.s32 s2, s16  }
0x8e: {  	[smem:$0x3FB8] =	sst s2  }
0x8f: {  	_ = 	snop  }
0x90: {  	(tm) =	ssettm $0x1  }
0x91: {  	s17 =	sld [smem:$0x3FFB];
	_ =	sdelay $0x3  }
0x92: {  	_ =	strace s17  }
0x93: {  	s2 =	sld [smem:$0x3FFC];
	_ =	sdelay $0x3  }
0x94: {  	_ =	strace s2  }
0x95: {  	s2 =	sld [smem:$0x3FFD];
	_ =	sdelay $0x3  }
0x96: {  	_ =	strace s2  }
0x97: {  	_ =	strace $0x8FFFFFFF  }
0x98: {  	s18 =	sld [smem:$0x3FDB];
	_ =	sdelay $0x1  }
0x99: {  	s19 =	simm.s32 $_scs_section_size  }
0x9a: {  	s4 =	simm.s32 $_size__tile_overlayer_lowered;
	s5 =	simm.s32 $_tile_overlayer_lowered  }
0x9b: {  	s22 =	simm.s32 $0x1BFF;
	s21 =	sshll.u32 s5, $0x1;
	s2 =	sadd.s32 s19, s18  }
0x9c: {  	s6 =	simm.s32 $0x0;
	s20 =	sshll.u32 s4, $0x1;
	s4 =	sadd.s32 s21, s2  }
0x9d: {  	[timem:s6], [sflag:s22] =	dma.local [hbm:s4], s20  }
0x9e: {  	_ =	swait.ge [sflag:s22], s20  }
0x9f: {  	s3 =	ssub.s32 $0x0, s20;
	[sflag:s22] =	ssyncset.done $0x0  }
0xa0: {  	[sflag:s22] =	ssyncadd.s32 s3;
	_ =	sdelay $0x1  }
0xa1: {  	s23 =	simm.s32 $0x1B8B  }
0xa2: {  	_ =	swait.ge [sflag:s23], $0x1  }
0xa3: {  	[sflag:s23] =	ssyncset.done $0x0  }
0xa4: {  	s25 =	simm.s32 $0x1B8E;
	s24 =	sld [smem:$0x3FFE];
	[sflag:s23] =	ssyncadd.s32 $0xFFFFFFFF  }
0xa5: {  	s26 =	simm.s32 $execute0_lowered;
	[smem:$0x3FD2] =	sst s25  }
0xa6: {  	s4 =	sshll.u32 s26, $0x1;
	_ =	strace $0x80000046;
	[dreg:$0x1] =	wrdreg $0xFFFFFFFF  }
0xa7: {  	s28 =	simm.s32 $_size_execute0_lowered;
	s2 =	sadd.s32 s2, s4;
	[dreg:$0x0] =	wrdreg $0x0  }
0xa8: {  	s4 =	sshll.u32 s28, $0x1;
	[dreg:$0x2] =	wrdreg s2  }
0xa9: {  	[dreg:$0x3] =	wrdreg s4  }
0xaa: {  	[dreg:$0x4] =	wrdreg $0xC0  }
0xab: {  	_ =	task [dreg:s6], $0x5FFFF  }
0xac: {  	[dreg:$0x1] =	wrdreg $0xFFFFFFFF  }
0xad: {  	[dreg:$0x0] =	wrdreg $0x60  }
0xae: {  	[dreg:$0x2] =	wrdreg s24  }
0xaf: {  	[dreg:$0x3] =	wrdreg $0x70000  }
0xb0: {  	[dreg:$0x4] =	wrdreg $0x9  }
0xb1: {  	_ =	task.clear_ibuf [dreg:s6], $0x5FFFF;
	_ =	strace $0x90000046  }
0xb2: {  	s29 =	simm.s32 $0x9;
	_ =	strace $0x80000048  }
0xb3: {  	_ =	swait.ge [sflag:s29], $0x1  }
0xb4: {  	[sflag:s29] =	ssyncadd.s32 $0xFFFFFFFF  }
0xb5: {  	_ =	strace $0x90000048  }
0xb6: {  	_ =	sfence  }
0xb7: {  	s30 =	sld [smem:$0x0];
	_ =	sdelay $0x2  }
0xb8: {  	s31 =	sshll.u32 s1, $0xD;
	s1 =	sshrl.u32 s1, $0x2  }
0xb9: {  	s3 =	sand.u32 $0x4000, s31;
	s1 =	sadd.s32 s1, s30  }
0xba: {  	s0 =	sor.u32 s3, s0;
	s1 =	sshll.u32 s1, $0x11  }
0xbb: {  	s0 =	sor.u32 s1, s0  }
0xbc: {  	s0 =	sadd.s32 $0x8F2B, s0  }
0xbd: {  	[sflag:s0] =	ssyncadd.remote.s32 $0x1  }
0xbe: {  	_ =	sfence.sel $0xFFFF  }
0xbf: {  	[dreg:$0x0] =	wrdreg $0xFFFFFFFF;
	(pc) =	sbr.abs _section_cstart, $3  }
0xc0: {  	[dreg:$0x1] =	wrdreg $0xFFFFFFFF  }
0xc1: {  	_ =	task.clear_ibuf [dreg:s6], $0x2FFFF;
	_ =	strace $0x9FFFFFFF  }
0xc2: {  	(tm) =	ssettm $0x7FFFFFFF  }
0xc3: {  	_ =	shalt  }
tec
execute0_lowered:
.L_overlay_start_1:
0x0: {  	(tag) =	ssettag $0x1  }
0x1: {  	s0 =	srdreg.scid;
	s4 =	rddreg [dreg:$0x0]  }
0x2: {  	s2 =	rddreg [dreg:$0x1];
	s1 =	stileid.u32;
	s3 =	simm.s32 $0x0  }
0x3: {  	s20 =	simm.s32 $0x4C00;
	s21 =	simm.s32 $0x1;
	s22 =	simm.s32 $0x80  }
0x4: {  	s10 =	sand.u32 $0x1, s0;
	s0 =	rddreg [dreg:$0x2];
	s9 =	smul.u32 $0xF000, s1  }
0x5: {  	s23 =	simm.s32 $0x2;
	[smem:$0x7FF] =	sst s3;
	s15 =	smul.u32 $0x3C00, s1  }
0x6: {  	s14 =	sadd.s32 $0x20E00, s4;
	s19 =	smul.u32 $0x7800, s1;
	s5 =	sshll.u32 s10, $0x4  }
0x7: {  	_ =	strace $0x80000047;
	s7 =	smul.u32 $0x7800, s10;
	s8 =	ssub.s32 $0x2, s10  }
0x8: {  	s18 =	smul.u32 $0x78000, s10;
	s5 =	sor.u32 s1, s5;
	s26 =	sshrl.u32 s8, $0x1  }
0x9: {  	s28 =	sshrl.u32 s9, $0x2;
	s25 =	sshrl.u32 s15, $0x3;
	s6 =	smul.u32 $0x500, s5  }
0xa: {  	s16 =	sadd.s32 s7, s4;
	s17 =	ssub.s32 s8, s26;
	s29 =	sadd.s32 s28, s2  }
0xb: {  	s30 =	smul.u32 $0x7800, s5;
	s5 =	sadd.s32 $0xC00, s29;
	s7 =	sadd.s32 $0x2400, s29  }
0xc: {  	s8 =	sadd.s32 $0x3000, s29;
	s24 =	sadd.s32 $0x110E00, s16;
	s16 =	simm.s32 $0x2800  }
0xd: {  	s11 =	sadd.s32 s6, s4;
	s4 =	sadd.s32 s15, s2;
	s6 =	sadd.s32 $0x1800, s29  }
.Ltmp0:
0xe: {  	s9 =	sadd.s32 s14, s30;
	s14 =	sadd.s32 s18, s14;
	(pc) =	sbr.rel .LBB2_1-.Ltmp0, $4  }
0xf: {  	s18 =	simm.s32 $0x3400;
	s24 =	sadd.s32 s25, s24;
	s25 =	simm.s32 $0x0  }
0x10: {  	s10 =	sadd.s32 $0xCC00, s11;
	s11 =	sadd.s32 $0x180, s9;
	s12 =	sadd.s32 $0x300, s9  }
0x11: {  	s13 =	sadd.s32 $0x480, s9;
	s31 =	sadd.s32 s19, s14;
	s14 =	smax.u32 s17, $0x1  }
0x12: {  	v0 =	vimm.f32 $0.0e+00;
	s17 =	simm.s32 $0x3;
	s19 =	simm.s32 $0x4000;
	s15 =	sadd.s32 $0x600, s31  }
.LBB2_9:
0x13: {  	_ =	swait.ge [sflag:s23], $0xC00  }
0x14: {  	[sflag:s23] =	ssyncset.done $0x0  }
0x15: {  	[sflag:s23] =	ssyncadd.s32 $0xFFFFF400  }
0x16: {  	_ =	swait.ge [sflag:s23], $0xC00  }
0x17: {  	[sflag:s23] =	ssyncset.done $0x0  }
0x18: {  	[sflag:s23] =	ssyncadd.s32 $0xFFFFF400  }
0x19: {  	_ =	swait.ge [sflag:s23], $0xC00  }
0x1a: {  	[sflag:s23] =	ssyncset.done $0x0  }
0x1b: {  	[sflag:s23] =	ssyncadd.s32 $0xFFFFF400  }
0x1c: {  	_ =	swait.ge [sflag:s23], $0xC00  }
0x1d: {  	[sflag:s23] =	ssyncset.done $0x0  }
0x1e: {  	[sflag:s23] =	ssyncadd.s32 $0xFFFFF400  }
0x1f: {  	_ =	swait.ge [sflag:s23], $0xC00  }
0x20: {  	[sflag:s23] =	ssyncset.done $0x0  }
0x21: {  	[sflag:s23] =	ssyncadd.s32 $0xFFFFF400  }
0x22: {  	_ =	swait.ge [sflag:s23], $0xC00  }
0x23: {  	s26 =	sshll.u32 s1, $0x6;
	s25 =	sadd.s32 $0x1, s25;
	[sflag:s23] =	ssyncset.done $0x0  }
0x24: {  	s28 =	sshrl.u32 s4, $0x3;
	p0 =	sne.s32 s25, s14;
	[sflag:s23] =	ssyncadd.s32 $0xFFFFF400  }
.Ltmp1:
0x25: {  	s26 =	sor.u32 $0x1C03, s26;
	[bflag:$0x0] =	sbarrier.arrive $0xFFFF;
	(pc) =	sbr.rel @!p0 .LBB2_10-.Ltmp1, $4  }
0x26: {  	[hbm:s24], [sflag:s26] =	dma.local [spmem:s28], $0x780  }
0x27: {  	_ =	swait.ge [sflag:s17], $0x780  }
0x28: {  	[sflag:s17] =	ssyncset.done $0x0  }
0x29: {  	[sflag:s17] =	ssyncadd.s32 $0xFFFFF880  }
.LBB2_1:
0x2a: {  	s26 =	simm.s32 $0x60;
	s28 =	simm.s32 $0x0  }
.LBB2_2:
0x2b: {  	p0 =	sne.s32 s26, $0x2FA0;
	[tilespmem:s28+$0x2800] =	vst v0;
	s28 =	smov.u32 s26;
	s26 =	sadd.s32 $0x60, s26  }
.Ltmp2:
0x2c: {  	(pc) =	sbr.rel @p0 .LBB2_2-.Ltmp2, $2  }
0x2d: {  	_ =	sdelay $0x2  }
0x2e: {  	s28 =	sshra.s32 s28, $0x2  }
0x2f: {  	[tilespmem:s28+$0x2800] =	vst v0  }
0x30: {  	[spmem:s4] =	stream.linear.scatter [tilespmem:s16], [sflag:$0x3], $0xC00, $0x38;
	[tilespmem:$0xAC00] =	vst v63  }
0x31: {  	_ =	swait.ge [sflag:s17], $0xC00  }
0x32: {  	[sflag:s17] =	ssyncset.done $0x0  }
0x33: {  	[sflag:s17] =	ssyncadd.s32 $0xFFFFF400  }
0x34: {  	[spmem:s5] =	stream.linear.scatter [tilespmem:s16], [sflag:$0x3], $0xC00, $0x38;
	[tilespmem:$0xAC00] =	vst v63  }
0x35: {  	_ =	swait.ge [sflag:s17], $0xC00  }
0x36: {  	[sflag:s17] =	ssyncset.done $0x0  }
0x37: {  	[sflag:s17] =	ssyncadd.s32 $0xFFFFF400  }
0x38: {  	[spmem:s6] =	stream.linear.scatter [tilespmem:s16], [sflag:$0x3], $0xC00, $0x38;
	[tilespmem:$0xAC00] =	vst v63  }
0x39: {  	_ =	swait.ge [sflag:s17], $0xC00  }
0x3a: {  	[sflag:s17] =	ssyncset.done $0x0  }
0x3b: {  	[sflag:s17] =	ssyncadd.s32 $0xFFFFF400  }
0x3c: {  	[spmem:s7] =	stream.linear.scatter [tilespmem:s16], [sflag:$0x3], $0xC00, $0x38;
	[tilespmem:$0xAC00] =	vst v63  }
0x3d: {  	_ =	swait.ge [sflag:s17], $0xC00  }
0x3e: {  	[sflag:s17] =	ssyncset.done $0x0  }
0x3f: {  	[sflag:s17] =	ssyncadd.s32 $0xFFFFF400  }
0x40: {  	[spmem:s8] =	stream.linear.scatter [tilespmem:s16], [sflag:$0x3], $0xC00, $0x38;
	[tilespmem:$0xAC00] =	vst v63  }
0x41: {  	_ =	swait.ge [sflag:s17], $0xC00  }
0x42: {  	[sflag:s17] =	ssyncset.done $0x0  }
0x43: {  	[sflag:s17] =	ssyncadd.s32 $0xFFFFF400  }
0x44: {  	s26 =	simm.s32 $0x0;
	[bflag:$0x0] =	sbarrier.arrive $0xFFFF  }
0x45: {  	[tilespmem:s26], [sflag:$0x3] =	stream.linear.gather [hbm4b:s10+s26], $0x2800, $0x38;
	[tilespmem:$0xAC00] =	vst v63  }
0x46: {  	_ =	swait.ge [sflag:s17], $0x2800  }
0x47: {  	[sflag:s17] =	ssyncset.done $0x0  }
0x48: {  	[sflag:s17] =	ssyncadd.s32 $0xFFFFD800  }
0x49: {  	[tilespmem:s16], [sflag:$0x1] =	stream.linear.gather [hbm4b:s9+s26], $0xC00, $0x38;
	[tilespmem:$0xAC00] =	vst v63  }
0x4a: {  	_ = 	snop  }
0x4b: {  	[tilespmem:s18], [sflag:$0x1] =	stream.linear.gather [hbm4b:s11+s26], $0xC00, $0x38;
	[tilespmem:$0xAC00] =	vst v63  }
.Ltmp3:
0x4c: {  	_ = 	snop;
	(pc) =	sbr.rel .LBB2_4-.Ltmp3, $4  }
0x4d: {  	_ = 	snop  }
0x4e: {  	[tilespmem:s19], [sflag:$0x1] =	stream.linear.gather [hbm4b:s12+s26], $0xC00, $0x38;
	[tilespmem:$0xAC00] =	vst v63  }
0x4f: {  	s28 =	simm.s32 $0xFFFFFFFE;
	s29 =	smov.u32 s15  }
0x50: {  	[tilespmem:s20], [sflag:$0x1] =	stream.linear.gather [hbm4b:s13+s26], $0xC00, $0x38;
	[tilespmem:$0xAC00] =	vst v63  }
.LBB2_5:
0x51: {  	_ =	swait.ge [sflag:s23], $0xC00  }
0x52: {  	[sflag:s23] =	ssyncset.done $0x0  }
0x53: {  	[sflag:s23] =	ssyncadd.s32 $0xFFFFF400  }
.LBB2_7:
0x54: {  	s30 =	sadd.s32 $0x6, s28  }
0x55: {  	s31 =	smul.u32 $0xAB, s30;
	_ =	sdelay $0x1  }
0x56: {  	s31 =	sshrl.u32 s31, $0xA  }
0x57: {  	s31 =	sand.u32 $0x3F, s31  }
0x58: {  	s31 =	smul.u32 $0x6, s31;
	_ =	sdelay $0x1  }
0x59: {  	s30 =	ssub.s32 s30, s31  }
0x5a: {  	s30 =	sand.u32 $0xFF, s30  }
0x5b: {  	s30 =	smul.u32 $0x3000, s30;
	_ =	sdelay $0x1  }
0x5c: {  	s30 =	sshrl.u32 s30, $0x2  }
0x5d: {  	s30 =	sadd.s32 $0x2800, s30  }
0x5e: {  	[tilespmem:s30], [sflag:$0x1] =	stream.linear.gather [hbm4b:s29+s3], $0xC00, $0x38;
	[tilespmem:$0xAC00] =	vst v63  }
.LBB2_8:
0x5f: {  	s28 =	sadd.s32 $0x1, s28  }
0x60: {  	p0 =	sne.s32 s28, $0x4E  }
.Ltmp4:
0x61: {  	_ = 	snop;
	(pc) =	sbr.rel @!p0 .LBB2_9-.Ltmp4, $2  }
0x62: {  	_ =	sdelay $0x2  }
0x63: {  	s29 =	sadd.s32 $0x180, s29;
	s26 =	sadd.s32 $0x80, s26  }
.LBB2_4:
0x64: {  	s30 =	sadd.s32 $0x2, s28  }
0x65: {  	s31 =	smul.u32 $0xAB, s30;
	_ =	sdelay $0x1  }
0x66: {  	s31 =	sshrl.u32 s31, $0xA  }
0x67: {  	s31 =	sand.u32 $0x3F, s31  }
0x68: {  	s31 =	smul.u32 $0x6, s31;
	_ =	sdelay $0x1  }
0x69: {  	s31 =	ssub.s32 s30, s31  }
0x6a: {  	s31 =	sand.u32 $0xFF, s31  }
0x6b: {  	p0 =	sgt.u32 s28, $0x49;
	s31 =	smul.u32 $0x3000, s31  }
.Ltmp5:
0x6c: {  	_ = 	snop;
	(pc) =	sbr.rel @!p0 .LBB2_5-.Ltmp5, $4  }
0x6d: {  	_ =	swait.ge [sflag:s21], $0xC00  }
0x6e: {  	[sflag:s21] =	ssyncset.done $0x0;
	s31 =	sshrl.u32 s31, $0x2  }
0x6f: {  	[sflag:s21] =	ssyncadd.s32 $0xFFFFF400;
	s31 =	sadd.s32 $0x2800, s31  }
0x70: {  	[spmem:s2] =	stream.indirect.scatter.add.f32 [tilespmem:s31], [sflag:$0x2], $0x18, s26, s22, $0xb8;
	[tilespmem:$0xAC00] =	vst v63  }
0x71: {  	p0 =	sgt.u32 s30, $0x4B  }
.Ltmp6:
0x72: {  	_ = 	snop;
	(pc) =	sbr.rel @p0 .LBB2_8-.Ltmp6, $4  }
.Ltmp7:
0x73: {  	_ = 	snop;
	(pc) =	sbr.rel @!p0 .LBB2_7-.Ltmp7, $4  }
0x74: {  	_ = 	snop  }
0x75: {  	_ = 	snop  }
0x76: {  	_ = 	snop  }
0x77: {  	_ = 	snop  }
.LBB2_10:
0x78: {  	_ =	sfence.sel $0x180000  }
0x79: {  	[bflag:$0x0] =	sbarrier.arrive $0xFFFF  }
0x7a: {  	p0 =	sne.s32 s1, $0x0;
	_ =	strace $0x90000047  }
0x7b: {  	s0 =	sadd.s32 @!p0 $0x100000, s0;
	[bflag:$0x2] =	sbarrier.arrive $0xFFFF  }
0x7c: {  	[sflag:s0] =	ssyncadd.tile.s32 @!p0 $0x1;
	_ =	shalt  }
.Lfunc_end2:
_tile_overlayer_lowered:
.L_overlay_start_2:
0x7d: {  	(tag) =	ssettag $0x2  }
0x7e: {  	s0 =	rddreg [dreg:$0x0];
	s2 =	stileid.u32  }
0x7f: {  	s1 =	rddreg [dreg:$0x1];
	p0 =	sne.s32 s2, $0x0  }
0x80: {  	s3 =	rddreg [dreg:$0x2];
	[bflag:$0x3] =	sbarrier.arrive $0xFFFF;
	s2 =	simm.s32 @!p0 $0x1C03  }
0x81: {  	[timem:s3], [sflag:s2] =	dma.local @!p0 [hbm:s0], s1  }
0x82: {  	s0 =	simm.s32 @!p0 $0x3  }
0x83: {  	_ =	swait.ge @!p0 [sflag:s0], s1  }
0x84: {  	s1 =	ssub.s32 @!p0 $0x0, s1;
	[sflag:s0] =	ssyncset.done @!p0 $0x0  }
0x85: {  	[sflag:s0] =	ssyncadd.s32 @!p0 s1  }
0x86: {  	[bflag:$0x3] =	sbarrier.arrive $0xFFFF  }
0x87: {  	_ =	shalt  }

// kernel: sc_node_pool.9.cloned.1.call-start
scs
__scs_entry_jumppad:
0x0: {  	(pc) =	sbr.rel $0x88, $3  }
0x1: {  	(tag) =	ssettag $0x0;
	lr =	simm.s32 $0x1  }
0x2: {  	[smem:$0x3F91] =	sst lr;
	_ =	strace $0xD0000000  }
0x3: {  	_ = 	snop  }
0x4: {  	_ = 	snop  }
0x5: {  	_ = 	snop  }
0x6: {  	_ = 	snop  }
0x7: {  	_ = 	snop  }
__scs_overlays_trampoline_lowered:
0x8: {  	[smem:$0x3FA0] =	sst s0  }
0x9: {  	[smem:$0x3FA1] =	sst s1  }
0xa: {  	[smem:$0x3FA2] =	sst s2  }
0xb: {  	[smem:$0x3FA3] =	sst s3  }
0xc: {  	[smem:$0x3FA4] =	sst s4  }
0xd: {  	[smem:$0x3FA5] =	sst s5  }
0xe: {  	[smem:$0x3FA6] =	sst s6  }
0xf: {  	[smem:$0x3FA7] =	sst s7  }
0x10: {  	[smem:$0x3FA8] =	sst s8  }
0x11: {  	[smem:$0x3FA9] =	sst s9;
	s0 =	simm.s32 @!p0 $0x0  }
0x12: {  	s1 =	sld [smem:$0x3F8F];
	s0 =	simm.s32 @p0 $0x1  }
0x13: {  	[smem:$0x3FAA] =	sst s0;
	s0 =	simm.s32 @!p1 $0x0  }
0x14: {  	s2 =	sld [smem:$0x3F8E];
	s0 =	simm.s32 @p1 $0x1  }
0x15: {  	[smem:$0x3FAB] =	sst s0;
	s0 =	simm.s32 @!p2 $0x0  }
0x16: {  	s3 =	sld [smem:$0x3FDB];
	s0 =	simm.s32 @p2 $0x1  }
0x17: {  	s4 =	simm.s32 $0x1BF5;
	[smem:$0x3FAD] =	sst s0  }
0x18: {  	s0 =	sld [smem:$0x3F90];
	_ =	swait.ge [sflag:s4], $0x0  }
0x19: {  	s7 =	sld [smem:$0x3F91]  }
0x1a: {  	s8 =	sadd.s32 $0xFFFFE003, lr  }
0x1b: {  	s9 =	sadd.s32 $0xFFFFFEF7, lr;
	s5 =	simm.s32 $0xFFFFFFFF;
	p2 =	slt.u32 s8, $0xFFFFF086  }
0x1c: {  	p1 =	slt.u32 s9, $0xF7A;
	s5 =	simm.s32 @!p2 $0x0  }
0x1d: {  	s5 =	simm.s32 @p1 $0x1;
	p0 =	seq.s32 s7, s2  }
0x1e: {  	s7 =	smul.u32 @!p0 $0xF7A, s2;
	p2 =	seq.s32 @!p0 s5, $0x0  }
0x1f: {  	s9 =	smul.u32 $0xF7A, s1;
	s8 =	simm.s32 @!p0 $0x1BF5;
	p2 =	por !p2, p0  }
0x20: {  	[sflag:s8] =	ssyncset.s32 @!p0 $0xFFFFF086;
	s6 =	sadd.s32 @!p0 s3, s7;
	s7 =	simm.s32 @!p0 $0x108  }
0x21: {  	s3 =	sadd.s32 s3, s9;
	s6 =	sadd.s32 @!p0 $0x88, s6;
	s7 =	simm.s32 @p2 $0x1082  }
0x22: {  	[simem:s7], [sflag:s8] =	dma.local @!p0 [hbm:s6], $0xF7A  }
0x23: {  	s9 =	sor.u32 $0xD0000000, s2;
	s6 =	simm.s32 $0x108;
	_ =	swait.ge @!p0 [sflag:s8], $0x0  }
0x24: {  	s3 =	sadd.s32 $0x88, s3;
	s6 =	simm.s32 @!p1 $0x1082;
	[sflag:s4] =	ssyncset.s32 $0xFFFFF086  }
0x25: {  	[simem:s6], [sflag:s4] =	dma.local [hbm:s3], $0xF7A  }
0x26: {  	[smem:$0x3F91] =	sst s1;
	(tag) =	ssettag s2;
	_ =	strace s9  }
0x27: {  	s1 =	sld [smem:$0x3FA1]  }
0x28: {  	s2 =	sld [smem:$0x3FA2]  }
0x29: {  	s4 =	sld [smem:$0x3FA4]  }
0x2a: {  	p0 =	seq.s32 s5, $0x0;
	s5 =	sld [smem:$0x3FA5]  }
0x2b: {  	s6 =	sld [smem:$0x3FA6]  }
0x2c: {  	s7 =	sld [smem:$0x3FA7]  }
0x2d: {  	s3 =	simm.s32 $0x108;
	s8 =	sld [smem:$0x3FA8]  }
0x2e: {  	s3 =	simm.s32 @!p0 $0x1082;
	s9 =	sld [smem:$0x3FA9]  }
0x2f: {  	lr =	sadd.s32 s0, s3;
	s0 =	sld [smem:$0x3FA0]  }
0x30: {  	s3 =	sld [smem:$0x3FA3]  }
0x31: {  	[smem:$0x3FAC] =	sst s10  }
0x32: {  	s10 =	sld [smem:$0x3FAA];
	_ =	sdelay $0x3  }
0x33: {  	p0 =	seq.s32 s10, $0x1;
	s10 =	sld [smem:$0x3FAC];
	_ =	sdelay $0x3  }
0x34: {  	[smem:$0x3FAC] =	sst s10  }
0x35: {  	s10 =	sld [smem:$0x3FAB];
	_ =	sdelay $0x3  }
0x36: {  	p1 =	seq.s32 s10, $0x1;
	s10 =	sld [smem:$0x3FAC];
	_ =	sdelay $0x3  }
0x37: {  	[smem:$0x3FAC] =	sst s10  }
0x38: {  	s10 =	sld [smem:$0x3FAD]  }
0x39: {  	_ = 	snop;
	(pc) =	sbr.ind lr, $3  }
0x3a: {  	_ = 	snop  }
0x3b: {  	_ = 	snop  }
0x3c: {  	p2 =	seq.s32 s10, $0x1;
	s10 =	sld [smem:$0x3FAC]  }
0x3d: {  	_ =	shalt  }
0x3e: {  	_ =	shalt  }
0x3f: {  	_ =	shalt  }
0x40: {  	_ =	shalt  }
0x41: {  	_ =	shalt  }
0x42: {  	_ =	shalt  }
0x43: {  	_ =	shalt  }
0x44: {  	_ =	shalt  }
0x45: {  	_ =	shalt  }
0x46: {  	_ =	shalt  }
0x47: {  	_ =	shalt  }
0x48: {  	_ =	shalt  }
0x49: {  	_ =	shalt  }
0x4a: {  	_ =	shalt  }
0x4b: {  	_ =	shalt  }
0x4c: {  	_ =	shalt  }
0x4d: {  	_ =	shalt  }
0x4e: {  	_ =	shalt  }
0x4f: {  	_ =	shalt  }
0x50: {  	_ =	shalt  }
0x51: {  	_ =	shalt  }
0x52: {  	_ =	shalt  }
0x53: {  	_ =	shalt  }
0x54: {  	_ =	shalt  }
0x55: {  	_ =	shalt  }
0x56: {  	_ =	shalt  }
0x57: {  	_ =	shalt  }
0x58: {  	_ =	shalt  }
0x59: {  	_ =	shalt  }
0x5a: {  	_ =	shalt  }
0x5b: {  	_ =	shalt  }
0x5c: {  	_ =	shalt  }
0x5d: {  	_ =	shalt  }
0x5e: {  	_ =	shalt  }
0x5f: {  	_ =	shalt  }
0x60: {  	_ =	shalt  }
0x61: {  	_ =	shalt  }
0x62: {  	_ =	shalt  }
0x63: {  	_ =	shalt  }
0x64: {  	_ =	shalt  }
0x65: {  	_ =	shalt  }
0x66: {  	_ =	shalt  }
0x67: {  	_ =	shalt  }
0x68: {  	_ =	shalt  }
0x69: {  	_ =	shalt  }
0x6a: {  	_ =	shalt  }
0x6b: {  	_ =	shalt  }
0x6c: {  	_ =	shalt  }
0x6d: {  	_ =	shalt  }
0x6e: {  	_ =	shalt  }
0x6f: {  	_ =	shalt  }
0x70: {  	_ =	shalt  }
0x71: {  	_ =	shalt  }
0x72: {  	_ =	shalt  }
0x73: {  	_ =	shalt  }
0x74: {  	_ =	shalt  }
0x75: {  	_ =	shalt  }
0x76: {  	_ =	shalt  }
0x77: {  	_ =	shalt  }
0x78: {  	_ =	shalt  }
0x79: {  	_ =	shalt  }
0x7a: {  	_ =	shalt  }
0x7b: {  	_ =	shalt  }
0x7c: {  	_ =	shalt  }
0x7d: {  	_ =	shalt  }
0x7e: {  	_ =	shalt  }
0x7f: {  	_ =	shalt  }
0x80: {  	_ =	shalt  }
0x81: {  	_ =	shalt  }
0x82: {  	_ =	shalt  }
0x83: {  	_ =	shalt  }
0x84: {  	_ =	shalt  }
0x85: {  	_ =	shalt  }
0x86: {  	_ =	shalt  }
0x87: {  	_ =	shalt  }
.Lfunc_end0:
.L_simem_size_0:
called_computation_lowered:
.L_overlay_start_0:
0x88: {  	s2 =	sld [smem:$0x3FD9]  }
0x89: {  	s3 =	sld [smem:$0x3FFE];
	_ =	sdelay $0x1  }
0x8a: {  	s1 =	srdreg.scid  }
0x8b: {  	s0 =	sand.u32 $0x1, s1  }
0x8c: {  	s16 =	sshll.u32 s0, $0xA;
	s2 =	sadd.s32 s3, s2  }
0x8d: {  	s2 =	sadd.s32 s2, s16  }
0x8e: {  	[smem:$0x3FB8] =	sst s2  }
0x8f: {  	_ = 	snop  }
0x90: {  	(tm) =	ssettm $0x1  }
0x91: {  	s17 =	sld [smem:$0x3FFB];
	_ =	sdelay $0x3  }
0x92: {  	_ =	strace s17  }
0x93: {  	s2 =	sld [smem:$0x3FFC];
	_ =	sdelay $0x3  }
0x94: {  	_ =	strace s2  }
0x95: {  	s2 =	sld [smem:$0x3FFD];
	_ =	sdelay $0x3  }
0x96: {  	_ =	strace s2  }
0x97: {  	_ =	strace $0x8FFFFFFF  }
0x98: {  	s18 =	sld [smem:$0x3FDB];
	_ =	sdelay $0x1  }
0x99: {  	s19 =	simm.s32 $_scs_section_size  }
0x9a: {  	s4 =	simm.s32 $_size__tile_overlayer_lowered;
	s5 =	simm.s32 $_tile_overlayer_lowered  }
0x9b: {  	s22 =	simm.s32 $0x1BFF;
	s21 =	sshll.u32 s5, $0x1;
	s2 =	sadd.s32 s19, s18  }
0x9c: {  	s6 =	simm.s32 $0x0;
	s20 =	sshll.u32 s4, $0x1;
	s4 =	sadd.s32 s21, s2  }
0x9d: {  	[timem:s6], [sflag:s22] =	dma.local [hbm:s4], s20  }
0x9e: {  	_ =	swait.ge [sflag:s22], s20  }
0x9f: {  	s3 =	ssub.s32 $0x0, s20;
	[sflag:s22] =	ssyncset.done $0x0  }
0xa0: {  	[sflag:s22] =	ssyncadd.s32 s3;
	_ =	sdelay $0x1  }
0xa1: {  	s23 =	simm.s32 $0x1B8B  }
0xa2: {  	_ =	swait.ge [sflag:s23], $0x1  }
0xa3: {  	[sflag:s23] =	ssyncset.done $0x0  }
0xa4: {  	s25 =	simm.s32 $0x1B8E;
	s24 =	sld [smem:$0x3FFE];
	[sflag:s23] =	ssyncadd.s32 $0xFFFFFFFF  }
0xa5: {  	s26 =	simm.s32 $execute0_lowered;
	[smem:$0x3FD2] =	sst s25  }
0xa6: {  	s4 =	sshll.u32 s26, $0x1;
	_ =	strace $0x80000049;
	[dreg:$0x1] =	wrdreg $0xFFFFFFFF  }
0xa7: {  	s28 =	simm.s32 $_size_execute0_lowered;
	s2 =	sadd.s32 s2, s4;
	[dreg:$0x0] =	wrdreg $0x0  }
0xa8: {  	s4 =	sshll.u32 s28, $0x1;
	[dreg:$0x2] =	wrdreg s2  }
0xa9: {  	[dreg:$0x3] =	wrdreg s4  }
0xaa: {  	[dreg:$0x4] =	wrdreg $0xC0  }
0xab: {  	_ =	task [dreg:s6], $0x5FFFF  }
0xac: {  	[dreg:$0x1] =	wrdreg $0xFFFFFFFF  }
0xad: {  	[dreg:$0x0] =	wrdreg $0x60  }
0xae: {  	[dreg:$0x2] =	wrdreg s24  }
0xaf: {  	[dreg:$0x3] =	wrdreg $0x160000  }
0xb0: {  	[dreg:$0x4] =	wrdreg $0x9  }
0xb1: {  	_ =	task.clear_ibuf [dreg:s6], $0x5FFFF;
	_ =	strace $0x90000049  }
0xb2: {  	s29 =	simm.s32 $0x9;
	_ =	strace $0x8000004B  }
0xb3: {  	_ =	swait.ge [sflag:s29], $0x1  }
0xb4: {  	[sflag:s29] =	ssyncadd.s32 $0xFFFFFFFF  }
0xb5: {  	_ =	strace $0x9000004B  }
0xb6: {  	_ =	sfence  }
0xb7: {  	s30 =	sld [smem:$0x0];
	_ =	sdelay $0x2  }
0xb8: {  	s31 =	sshll.u32 s1, $0xD;
	s1 =	sshrl.u32 s1, $0x2  }
0xb9: {  	s3 =	sand.u32 $0x4000, s31;
	s1 =	sadd.s32 s1, s30  }
0xba: {  	s0 =	sor.u32 s3, s0;
	s1 =	sshll.u32 s1, $0x11  }
0xbb: {  	s0 =	sor.u32 s1, s0  }
0xbc: {  	s0 =	sadd.s32 $0x8F2B, s0  }
0xbd: {  	[sflag:s0] =	ssyncadd.remote.s32 $0x1  }
0xbe: {  	_ =	sfence.sel $0xFFFF  }
0xbf: {  	[dreg:$0x0] =	wrdreg $0xFFFFFFFF;
	(pc) =	sbr.abs _section_cstart, $3  }
0xc0: {  	[dreg:$0x1] =	wrdreg $0xFFFFFFFF  }
0xc1: {  	_ =	task.clear_ibuf [dreg:s6], $0x2FFFF;
	_ =	strace $0x9FFFFFFF  }
0xc2: {  	(tm) =	ssettm $0x7FFFFFFF  }
0xc3: {  	_ =	shalt  }
tec
execute0_lowered:
.L_overlay_start_1:
0x0: {  	(tag) =	ssettag $0x1  }
0x1: {  	s4 =	rddreg [dreg:$0x0]  }
0x2: {  	s2 =	rddreg [dreg:$0x1]  }
0x3: {  	s0 =	rddreg [dreg:$0x2];
	s1 =	stileid.u32;
	s3 =	simm.s32 $0x0  }
0x4: {  	s6 =	srdreg.scid;
	s15 =	simm.s32 $0x80;
	s16 =	simm.s32 $0xC000  }
0x5: {  	s17 =	simm.s32 $0x100;
	s18 =	simm.s32 $0xE000;
	s19 =	simm.s32 $0x180  }
0x6: {  	s20 =	simm.s32 $0x10000;
	s21 =	simm.s32 $0x1;
	s5 =	smul.u32 $0xA00, s1  }
0x7: {  	s22 =	simm.s32 $0x2;
	[smem:$0x7FF] =	sst s3;
	s7 =	smul.u32 $0x28000, s1  }
0x8: {  	s6 =	sand.u32 $0x1, s6;
	s12 =	smul.u32 $0xA000, s1;
	_ =	strace $0x8000004A  }
0x9: {  	s30 =	smul.u32 $0x14000, s6;
	s6 =	ssub.s32 $0x2, s6;
	s10 =	sadd.s32 s5, s4  }
0xa: {  	s7 =	sshrl.u32 s7, $0x2;
	s31 =	sshrl.u32 s6, $0x1;
	s24 =	sshrl.u32 s12, $0x3  }
0xb: {  	s13 =	sadd.s32 s30, s4;
	s8 =	sadd.s32 s7, s2;
	s14 =	ssub.s32 s6, s31  }
.Ltmp0:
0xc: {  	s4 =	sadd.s32 s12, s2;
	s9 =	sadd.s32 $0x2E00, s10;
	(pc) =	sbr.rel .LBB2_1-.Ltmp0, $4  }
0xd: {  	s10 =	sadd.s32 $0x16C00, s10;
	s5 =	sadd.s32 $0x2000, s8;
	s6 =	sadd.s32 $0x4000, s8  }
0xe: {  	s7 =	sadd.s32 $0x6000, s8;
	s8 =	sadd.s32 $0x8000, s8;
	s11 =	sadd.s32 $0x20C00, s13  }
0xf: {  	s23 =	sadd.s32 $0x48C00, s13;
	s12 =	smax.u32 s14, $0x1;
	s13 =	simm.s32 $0xA000  }
0x10: {  	v0 =	vimm.f32 $0.0e+00;
	s14 =	simm.s32 $0x3;
	s23 =	sadd.s32 s24, s23;
	s24 =	simm.s32 $0x0  }
.LBB2_9:
0x11: {  	_ =	swait.ge [sflag:s22], $0x2000  }
0x12: {  	[sflag:s22] =	ssyncset.done $0x0  }
0x13: {  	[sflag:s22] =	ssyncadd.s32 $0xFFFFE000  }
0x14: {  	_ =	swait.ge [sflag:s22], $0x2000  }
0x15: {  	[sflag:s22] =	ssyncset.done $0x0  }
0x16: {  	[sflag:s22] =	ssyncadd.s32 $0xFFFFE000  }
0x17: {  	_ =	swait.ge [sflag:s22], $0x2000  }
0x18: {  	[sflag:s22] =	ssyncset.done $0x0  }
0x19: {  	[sflag:s22] =	ssyncadd.s32 $0xFFFFE000  }
0x1a: {  	_ =	swait.ge [sflag:s22], $0x2000  }
0x1b: {  	[sflag:s22] =	ssyncset.done $0x0  }
0x1c: {  	[sflag:s22] =	ssyncadd.s32 $0xFFFFE000  }
0x1d: {  	_ =	swait.ge [sflag:s22], $0x2000  }
0x1e: {  	[sflag:s22] =	ssyncset.done $0x0  }
0x1f: {  	[sflag:s22] =	ssyncadd.s32 $0xFFFFE000  }
0x20: {  	_ =	swait.ge [sflag:s22], $0x2000  }
0x21: {  	s25 =	sshll.u32 s1, $0x6;
	s24 =	sadd.s32 $0x1, s24;
	[sflag:s22] =	ssyncset.done $0x0  }
0x22: {  	s26 =	sshrl.u32 s4, $0x3;
	p0 =	sne.s32 s24, s12;
	[sflag:s22] =	ssyncadd.s32 $0xFFFFE000  }
.Ltmp1:
0x23: {  	s25 =	sor.u32 $0x1C03, s25;
	[bflag:$0x0] =	sbarrier.arrive $0xFFFF;
	(pc) =	sbr.rel @!p0 .LBB2_10-.Ltmp1, $4  }
0x24: {  	[hbm:s23], [sflag:s25] =	dma.local [spmem:s26], $0x1400  }
0x25: {  	_ =	swait.ge [sflag:s14], $0x1400  }
0x26: {  	[sflag:s14] =	ssyncset.done $0x0  }
0x27: {  	[sflag:s14] =	ssyncadd.s32 $0xFFFFEC00  }
.LBB2_1:
0x28: {  	s26 =	simm.s32 $0x100;
	s25 =	simm.s32 $0x0  }
.LBB2_2:
0x29: {  	p0 =	sne.s32 s26, $0x7F00;
	[tilespmem:s25+$0xA030] =	vst v0;
	s28 =	smov.u32 s26;
	s26 =	sadd.s32 $0x100, s26  }
.Ltmp2:
0x2a: {  	[tilespmem:s25+$0xA020] =	vst v0;
	(pc) =	sbr.rel @p0 .LBB2_2-.Ltmp2, $3  }
0x2b: {  	[tilespmem:s25+$0xA000] =	vst v0  }
0x2c: {  	[tilespmem:s25+$0xA010] =	vst v0;
	_ =	sdelay $0x1  }
0x2d: {  	s25 =	sshra.s32 s28, $0x2  }
0x2e: {  	[tilespmem:s25+$0xA030] =	vst v0  }
0x2f: {  	[tilespmem:s25+$0xA020] =	vst v0  }
0x30: {  	[tilespmem:s25+$0xA000] =	vst v0  }
0x31: {  	[tilespmem:s25+$0xA010] =	vst v0  }
0x32: {  	[spmem:s4] =	stream.linear.scatter [tilespmem:s13], [sflag:$0x3], $0x2000, $0x38;
	v63 =	vld [tilespmem:$0x0]  }
0x33: {  	_ =	swait.ge [sflag:s14], $0x2000  }
0x34: {  	[sflag:s14] =	ssyncset.done $0x0  }
0x35: {  	[sflag:s14] =	ssyncadd.s32 $0xFFFFE000  }
0x36: {  	[spmem:s5] =	stream.linear.scatter [tilespmem:s13], [sflag:$0x3], $0x2000, $0x38;
	v63 =	vld [tilespmem:$0x0]  }
0x37: {  	_ =	swait.ge [sflag:s14], $0x2000  }
0x38: {  	[sflag:s14] =	ssyncset.done $0x0  }
0x39: {  	[sflag:s14] =	ssyncadd.s32 $0xFFFFE000  }
0x3a: {  	[spmem:s6] =	stream.linear.scatter [tilespmem:s13], [sflag:$0x3], $0x2000, $0x38;
	v63 =	vld [tilespmem:$0x0]  }
0x3b: {  	_ =	swait.ge [sflag:s14], $0x2000  }
0x3c: {  	[sflag:s14] =	ssyncset.done $0x0  }
0x3d: {  	[sflag:s14] =	ssyncadd.s32 $0xFFFFE000  }
0x3e: {  	[spmem:s7] =	stream.linear.scatter [tilespmem:s13], [sflag:$0x3], $0x2000, $0x38;
	v63 =	vld [tilespmem:$0x0]  }
0x3f: {  	_ =	swait.ge [sflag:s14], $0x2000  }
0x40: {  	[sflag:s14] =	ssyncset.done $0x0  }
0x41: {  	[sflag:s14] =	ssyncadd.s32 $0xFFFFE000  }
0x42: {  	[spmem:s8] =	stream.linear.scatter [tilespmem:s13], [sflag:$0x3], $0x2000, $0x38;
	v63 =	vld [tilespmem:$0x0]  }
0x43: {  	_ =	swait.ge [sflag:s14], $0x2000  }
0x44: {  	[sflag:s14] =	ssyncset.done $0x0  }
0x45: {  	[sflag:s14] =	ssyncadd.s32 $0xFFFFE000  }
0x46: {  	[bflag:$0x0] =	sbarrier.arrive $0xFFFF  }
0x47: {  	[tilespmem:s3], [sflag:$0x3] =	stream.linear.gather [hbm4b:s9+s3], $0x5000, $0x38;
	v63 =	vld [tilespmem:$0x0]  }
0x48: {  	_ =	swait.ge [sflag:s14], $0x5000  }
0x49: {  	[sflag:s14] =	ssyncset.done $0x0  }
0x4a: {  	s25 =	simm.s32 $0x5000;
	[sflag:s14] =	ssyncadd.s32 $0xFFFFB000  }
0x4b: {  	[tilespmem:s25], [sflag:$0x3] =	stream.linear.gather [hbm4b:s10+s3], $0x5000, $0x38;
	v63 =	vld [tilespmem:$0x0]  }
0x4c: {  	_ =	swait.ge [sflag:s14], $0x5000  }
0x4d: {  	[sflag:s14] =	ssyncset.done $0x0  }
0x4e: {  	[sflag:s14] =	ssyncadd.s32 $0xFFFFB000  }
0x4f: {  	[tilespmem:s13], [sflag:$0x1] =	stream.indirect.gather [hbm4b:s11+s15], $0x40, s3, s15, $0xb8;
	v63 =	vld [tilespmem:$0x0]  }
0x50: {  	_ = 	snop  }
0x51: {  	[tilespmem:s16], [sflag:$0x1] =	stream.indirect.gather [hbm4b:s11+s15], $0x40, s15, s15, $0xb8;
	v63 =	vld [tilespmem:$0x0]  }
.Ltmp3:
0x52: {  	_ = 	snop;
	(pc) =	sbr.rel .LBB2_4-.Ltmp3, $4  }
0x53: {  	_ = 	snop  }
0x54: {  	[tilespmem:s18], [sflag:$0x1] =	stream.indirect.gather [hbm4b:s11+s15], $0x40, s17, s15, $0xb8;
	v63 =	vld [tilespmem:$0x0]  }
0x55: {  	s26 =	simm.s32 $0xFFFFFFFE;
	s28 =	simm.s32 $0x200  }
0x56: {  	[tilespmem:s20], [sflag:$0x1] =	stream.indirect.gather [hbm4b:s11+s15], $0x40, s19, s15, $0xb8;
	v63 =	vld [tilespmem:$0x0]  }
.LBB2_5:
0x57: {  	_ =	swait.ge [sflag:s22], $0x2000  }
0x58: {  	[sflag:s22] =	ssyncset.done $0x0  }
0x59: {  	[sflag:s22] =	ssyncadd.s32 $0xFFFFE000  }
.LBB2_7:
0x5a: {  	s29 =	sadd.s32 $0x6, s26  }
0x5b: {  	s30 =	sand.u32 $0xFF, s29  }
0x5c: {  	s30 =	smul.u32 $0xAB, s30;
	_ =	sdelay $0x1  }
0x5d: {  	s30 =	sshrl.u32 s30, $0xA  }
0x5e: {  	s30 =	smul.u32 $0x6, s30;
	_ =	sdelay $0x1  }
0x5f: {  	s29 =	ssub.s32 s29, s30  }
0x60: {  	s29 =	sand.u32 $0xFF, s29  }
0x61: {  	s29 =	sshll.u32 s29, $0xD  }
0x62: {  	s29 =	sadd.s32 $0xA000, s29  }
0x63: {  	[tilespmem:s29], [sflag:$0x1] =	stream.indirect.gather [hbm4b:s11+s15], $0x40, s28, s15, $0xb8;
	v63 =	vld [tilespmem:$0x0]  }
.LBB2_8:
0x64: {  	s26 =	sadd.s32 $0x1, s26  }
0x65: {  	p0 =	sne.s32 s26, $0x9E  }
.Ltmp4:
0x66: {  	_ = 	snop;
	(pc) =	sbr.rel @!p0 .LBB2_9-.Ltmp4, $2  }
0x67: {  	_ =	sdelay $0x2  }
0x68: {  	s28 =	sadd.s32 $0x80, s28;
	s25 =	sadd.s32 $0x80, s25  }
.LBB2_4:
0x69: {  	s29 =	sadd.s32 $0x2, s26  }
0x6a: {  	s30 =	smul.u32 $0xAB, s29;
	_ =	sdelay $0x1  }
0x6b: {  	s30 =	sshrl.u32 s30, $0xA  }
0x6c: {  	s30 =	sand.u32 $0x3F, s30  }
0x6d: {  	s30 =	smul.u32 $0x6, s30  }
0x6e: {  	p0 =	sgt.u32 s26, $0x99  }
.Ltmp5:
0x6f: {  	s30 =	ssub.s32 s29, s30;
	(pc) =	sbr.rel @!p0 .LBB2_5-.Ltmp5, $4  }
0x70: {  	_ =	swait.ge [sflag:s21], $0x2000;
	s30 =	sand.u32 $0xFF, s30  }
0x71: {  	[sflag:s21] =	ssyncset.done $0x0;
	s30 =	sshll.u32 s30, $0xD  }
0x72: {  	[sflag:s21] =	ssyncadd.s32 $0xFFFFE000;
	s30 =	sadd.s32 $0xA000, s30  }
0x73: {  	[spmem:s2] =	stream.indirect.scatter.add.f32 [tilespmem:s30], [sflag:$0x2], $0x40, s25, s15, $0xb8;
	v63 =	vld [tilespmem:$0x0]  }
0x74: {  	p0 =	sgt.u32 s29, $0x9B  }
.Ltmp6:
0x75: {  	_ = 	snop;
	(pc) =	sbr.rel @p0 .LBB2_8-.Ltmp6, $4  }
.Ltmp7:
0x76: {  	_ = 	snop;
	(pc) =	sbr.rel @!p0 .LBB2_7-.Ltmp7, $4  }
0x77: {  	_ = 	snop  }
0x78: {  	_ = 	snop  }
0x79: {  	_ = 	snop  }
0x7a: {  	_ = 	snop  }
.LBB2_10:
0x7b: {  	_ =	sfence.sel $0x180000  }
0x7c: {  	[bflag:$0x0] =	sbarrier.arrive $0xFFFF  }
0x7d: {  	p0 =	sne.s32 s1, $0x0;
	_ =	strace $0x9000004A  }
0x7e: {  	s0 =	sadd.s32 @!p0 $0x100000, s0;
	[bflag:$0x2] =	sbarrier.arrive $0xFFFF  }
0x7f: {  	[sflag:s0] =	ssyncadd.tile.s32 @!p0 $0x1;
	_ =	shalt  }
.Lfunc_end2:
_tile_overlayer_lowered:
.L_overlay_start_2:
0x80: {  	(tag) =	ssettag $0x2  }
0x81: {  	s0 =	rddreg [dreg:$0x0];
	s2 =	stileid.u32  }
0x82: {  	s1 =	rddreg [dreg:$0x1];
	p0 =	sne.s32 s2, $0x0  }
0x83: {  	s3 =	rddreg [dreg:$0x2];
	[bflag:$0x3] =	sbarrier.arrive $0xFFFF;
	s2 =	simm.s32 @!p0 $0x1C03  }
0x84: {  	[timem:s3], [sflag:s2] =	dma.local @!p0 [hbm:s0], s1  }
0x85: {  	s0 =	simm.s32 @!p0 $0x3  }
0x86: {  	_ =	swait.ge @!p0 [sflag:s0], s1  }
0x87: {  	s1 =	ssub.s32 @!p0 $0x0, s1;
	[sflag:s0] =	ssyncset.done @!p0 $0x0  }
0x88: {  	[sflag:s0] =	ssyncadd.s32 @!p0 s1  }
0x89: {  	[bflag:$0x3] =	sbarrier.arrive $0xFFFF  }
0x8a: {  	_ =	shalt  }

</sc_bundles>
